<compile_context>
chip_gen: v7x
topology: tpu7x:2x2x1
jax: 0.10.2.dev20260603
libtpu: 0.0.44.dev20260713+nightly
codegen_flags: <defaults>
</compile_context>

<pallas_src>
import functools
import math

import jax
import jax.numpy as jnp
from jax import lax
from jax.experimental import pallas as pl
from jax.experimental.pallas import tpu as pltpu
from jax.experimental.pallas import tpu_sc as plsc

N = 10000
E = 320000
D = 128
H = 512

NC = 2
NS = 16
LANES = 16

EDGES_PER_TILE = E // (NC * NS)
KB = 80
NBATCH = EDGES_PER_TILE // KB
NP = 10240
ROWS_PER_TILE = NP // NS
ZROWS = 128
BN_SCALE = 1.0 / math.sqrt(1.0 + 1e-5)


def _make_segsum(C):
    mesh = plsc.VectorSubcoreMesh(
        core_axis_name="c", subcore_axis_name="s", num_cores=NC, num_subcores=NS
    )

    def body(tab_hbm, src_hbm, dst_hbm, out_hbm, table, zero_v, srcb, dstb, rows, sem):
        cid = lax.axis_index("c")
        sid = lax.axis_index("s")
        ebase = (cid * NS + sid) * EDGES_PER_TILE

        zvec = jnp.zeros((LANES,), jnp.float32)

        def zfill(i, carry):
            r = i // (128 // LANES)
            j = i % (128 // LANES)
            zero_v[r, pl.ds(j * LANES, LANES)] = zvec
            return carry

        lax.fori_loop(0, ZROWS * (128 // LANES), zfill, 0)

        for c in range(C):
            def zcopy(j, carry):
                pltpu.sync_copy(
                    zero_v, table.at[pl.ds(sid * ROWS_PER_TILE + j * ZROWS, ZROWS)]
                )
                return carry

            lax.fori_loop(0, ROWS_PER_TILE // ZROWS, zcopy, 0)
            plsc.subcore_barrier()

            def ebody(b, carry):
                base = ebase + b * KB
                pltpu.sync_copy(src_hbm.at[pl.ds(base, KB)], srcb)
                pltpu.sync_copy(dst_hbm.at[pl.ds(base, KB)], dstb)
                if c > 0:
                    for i in range(KB // LANES):
                        sl = pl.ds(i * LANES, LANES)
                        srcb[sl] = srcb[sl] + c * N
                pltpu.async_copy(tab_hbm.at[srcb], rows, sem).wait()
                pltpu.sync_copy(rows, table.at[dstb], add=True)
                return carry

            lax.fori_loop(0, NBATCH, ebody, 0)
            plsc.subcore_barrier()

            pltpu.sync_copy(
                table.at[pl.ds(sid * ROWS_PER_TILE, ROWS_PER_TILE)],
                out_hbm.at[cid, c, pl.ds(sid * ROWS_PER_TILE, ROWS_PER_TILE)],
            )
            plsc.subcore_barrier()

    return functools.partial(
        pl.kernel,
        out_type=jax.ShapeDtypeStruct((NC, C, NP, 128), jnp.float32),
        mesh=mesh,
        scratch_types=[
            pltpu.VMEM_SHARED((NP, 128), jnp.float32),
            pltpu.VMEM((ZROWS, 128), jnp.float32),
            pltpu.VMEM((KB,), jnp.int32),
            pltpu.VMEM((KB,), jnp.int32),
            pltpu.VMEM((KB, 128), jnp.float32),
            pltpu.SemaphoreType.DMA,
        ],
    )(body)


_segsum1 = _make_segsum(1)
_segsum4 = _make_segsum(4)

BM = 1000


def _mlp1_body(eps_ref, x_ref, p_ref, w1_ref, b1_ref, w2_ref, b2_ref, g1_ref, be1_ref, out_ref):
    a = x_ref[...] * (1.0 + eps_ref[0, 0]) + p_ref[0] + p_ref[1]
    t = jnp.dot(a, w1_ref[...], preferred_element_type=jnp.float32)
    t = jnp.maximum(t + b1_ref[...], 0.0)
    t = jnp.dot(t, w2_ref[...], preferred_element_type=jnp.float32)
    t = jnp.maximum(t + b2_ref[...], 0.0)
    t = t * (g1_ref[...] * BN_SCALE) + be1_ref[...]
    for c in range(4):
        out_ref[c] = t[:, c * 128:(c + 1) * 128]


def _mlp2_body(eps_ref, h4_ref, p_ref, w3_ref, b3_ref, g2_ref, be2_ref, w4_ref, b4_ref, out_ref):
    t = None
    for c in range(4):
        hc = h4_ref[c] * (1.0 + eps_ref[0, 0]) + p_ref[0, c] + p_ref[1, c]
        tc = jnp.dot(hc, w3_ref[c * 128:(c + 1) * 128, :],
                     preferred_element_type=jnp.float32)
        t = tc if t is None else t + tc
    t = jnp.maximum(t + b3_ref[...], 0.0)
    t = t * (g2_ref[...] * BN_SCALE) + be2_ref[...]
    t = jnp.dot(t, w4_ref[...], preferred_element_type=jnp.float32)
    out_ref[...] = jnp.maximum(t + b4_ref[...], 0.0)


def _row(v):
    return v.reshape(1, -1)


def kernel(x, edge_index, eps1, W1, b1, W2, b2, g1, be1, eps2, W3, b3, g2, be2, W4, b4):
    src = edge_index[0].astype(jnp.int32)
    dst = edge_index[1].astype(jnp.int32)

    p1 = _segsum1(x, src, dst)
    p1 = p1[:, 0, :N, :]

    grid = (N // BM,)
    h4 = pl.pallas_call(
        _mlp1_body,
        grid=grid,
        in_specs=[
            pl.BlockSpec(memory_space=pltpu.SMEM),
            pl.BlockSpec((BM, D), lambda i: (i, 0)),
            pl.BlockSpec((NC, BM, D), lambda i: (0, i, 0)),
            pl.BlockSpec((D, H), lambda i: (0, 0)),
            pl.BlockSpec((1, H), lambda i: (0, 0)),
            pl.BlockSpec((H, H), lambda i: (0, 0)),
            pl.BlockSpec((1, H), lambda i: (0, 0)),
            pl.BlockSpec((1, H), lambda i: (0, 0)),
            pl.BlockSpec((1, H), lambda i: (0, 0)),
        ],
        out_specs=pl.BlockSpec((4, BM, D), lambda i: (0, i, 0)),
        out_shape=jax.ShapeDtypeStruct((4, N, D), jnp.float32),
    )(eps1.reshape(1, 1), x, p1, W1, _row(b1), W2, _row(b2), _row(g1), _row(be1))

    p2 = _segsum4(h4.reshape(4 * N, 128), src, dst)[:, :, :N, :]

    out = pl.pallas_call(
        _mlp2_body,
        grid=grid,
        in_specs=[
            pl.BlockSpec(memory_space=pltpu.SMEM),
            pl.BlockSpec((4, BM, D), lambda i: (0, i, 0)),
            pl.BlockSpec((NC, 4, BM, D), lambda i: (0, 0, i, 0)),
            pl.BlockSpec((H, H), lambda i: (0, 0)),
            pl.BlockSpec((1, H), lambda i: (0, 0)),
            pl.BlockSpec((1, H), lambda i: (0, 0)),
            pl.BlockSpec((1, H), lambda i: (0, 0)),
            pl.BlockSpec((H, H), lambda i: (0, 0)),
            pl.BlockSpec((1, H), lambda i: (0, 0)),
        ],
        out_specs=pl.BlockSpec((BM, H), lambda i: (i, 0)),
        out_shape=jax.ShapeDtypeStruct((N, H), jnp.float32),
    )(eps2.reshape(1, 1), h4, p2, W3, _row(b3), _row(g2), _row(be2), W4, _row(b4))

    return out

# --- scband reference (transcript-rebuilt; emitter-appended) ---
"""Pipeline reference for scband-gin-78228534330052 (READ-ONLY COPY).

The authoritative reference and input builder live on the scoring server;
editing this copy changes nothing except your own understanding.
"""

import jax, jax.numpy as jnp
import numpy as np

N, E, D, H = 10000, 320000, 128, 512


def _init_linear(key, fan_in, fan_out):
    k1, k2 = jax.random.split(key)
    s = 1.0 / np.sqrt(fan_in)
    W = jax.random.uniform(k1, (fan_in, fan_out), minval=-s, maxval=s, dtype=jnp.float32)
    b = jax.random.uniform(k2, (fan_out,), minval=-s, maxval=s, dtype=jnp.float32)
    return W, b


def setup_inputs(seed: int = 0):
    key = jax.random.key(seed)
    ks = jax.random.split(key, 8)
    x = jax.random.normal(ks[0], (N, D), dtype=jnp.float32)
    edge_index = jax.random.randint(ks[1], (2, E), 0, N)
    W1, b1 = _init_linear(ks[2], D, H)
    W2, b2 = _init_linear(ks[3], H, H)
    W3, b3 = _init_linear(ks[4], H, H)
    W4, b4 = _init_linear(ks[5], H, H)
    return {
        "x": x,
        "edge_index": edge_index,
        "eps1": jnp.zeros((), jnp.float32),
        "W1": W1, "b1": b1, "W2": W2, "b2": b2,
        "g1": jnp.ones((H,), jnp.float32), "be1": jnp.zeros((H,), jnp.float32),
        "eps2": jnp.zeros((), jnp.float32),
        "W3": W3, "b3": b3,
        "g2": jnp.ones((H,), jnp.float32), "be2": jnp.zeros((H,), jnp.float32),
        "W4": W4, "b4": b4,
    }


def _bn_eval(x, g, b):
    # BatchNorm1d in eval mode with running_mean=0, running_var=1, eps=1e-5
    return x / jnp.sqrt(1.0 + 1e-5) * g + b


def reference(x, edge_index, eps1, W1, b1, W2, b2, g1, be1, eps2, W3, b3, g2, be2, W4, b4):
    src = edge_index[0]
    dst = edge_index[1]
    # GINConv 1: nn = Linear(128,512) -> ReLU -> Linear(512,512) -> ReLU -> BN
    agg1 = jax.ops.segment_sum(x[src], dst, num_segments=x.shape[0])
    h = (1.0 + eps1) * x + agg1
    h = jax.nn.relu(h @ W1 + b1)
    h = jax.nn.relu(h @ W2 + b2)
    h = _bn_eval(h, g1, be1)
    # GINConv 2: nn = Linear(512,512) -> ReLU -> BN
    agg2 = jax.ops.segment_sum(h[src], dst, num_segments=h.shape[0])
    h2 = (1.0 + eps2) * h + agg2
    h2 = jax.nn.relu(h2 @ W3 + b3)
    h2 = _bn_eval(h2, g2, be2)
    # lin1 + ReLU (dropout is identity in eval mode)
    out = jax.nn.relu(h2 @ W4 + b4)
    return out

if __name__ == "__main__":
    import jax
    _d = setup_inputs()
    print(jax.jit(kernel)(*tuple(_d.values())))

</pallas_src>

<mosaic_0001>
#map = affine_map<(d0, d1) -> (0, 0)>
#map1 = affine_map<(d0, d1) -> (0)>
#map2 = affine_map<(d0, d1) -> (0, 0, 0, 0)>
module attributes {stable_mosaic.version = 14 : i64} {
  func.func @body(%arg0: i32, %arg1: i32, %arg2: memref<10000x128xf32, #tpu.memory_space<hbm>>, %arg3: memref<320000xi32, #tpu.memory_space<hbm>>, %arg4: memref<320000xi32, #tpu.memory_space<hbm>>, %arg5: memref<2x1x10240x128xf32, #tpu.memory_space<hbm>>, %arg6: memref<10240x128xf32, #tpu.memory_space<vmem_shared>>, %arg7: memref<128x128xf32, #tpu.memory_space<vmem>>, %arg8: memref<80xi32, #tpu.memory_space<vmem>>, %arg9: memref<80xi32, #tpu.memory_space<vmem>>, %arg10: memref<80x128xf32, #tpu.memory_space<vmem>>, %arg11: memref<!tpu.dma_semaphore, #tpu.memory_space<semaphore_mem>>) attributes {dimension_semantics = [#tpu.dimension_semantics<core_parallel>, #tpu.dimension_semantics<subcore_parallel>], iteration_bounds = array<i64: 2, 16>, scalar_prefetch = 0 : i64, scratch_operands = 6 : i64, tpu.core_type = #tpu.core_type<sc_vector_subcore>, window_params = [{transform_indices = #map}, {transform_indices = #map1}, {transform_indices = #map1}, {transform_indices = #map2}]} {
    %mul3A = arith.constant 16 : i32
    %mul3A_0 = arith.muli %arg0, %mul3A : i32
    %add3A = arith.addi %mul3A_0, %arg1 : i32
    %mul3A_1 = arith.constant 10000 : i32
    %mul3A_2 = arith.muli %add3A, %mul3A_1 : i32
    %broadcast_in_dim3A = arith.constant 0.000000e+00 : f32
    %broadcast_in_dim3A_3 = vector.broadcast %broadcast_in_dim3A : f32 to vector<16xf32>
    %scan3A = arith.constant 0 : i32
    %scan3A_4 = arith.constant 0 : i32
    %scan3A_5 = arith.constant 1024 : i32
    %scan3A_6 = arith.addi %scan3A_4, %scan3A_5 : i32
    %scan3A_7 = arith.constant 1 : i32
    scf.for %scan3A_27 = %scan3A_4 to %scan3A_6 step %scan3A_7  : i32 {
      %jit3A = arith.constant 8 : i32
      %div3A = arith.divsi %scan3A_27, %jit3A : i32
      %sign3A = arith.constant 0 : i32
      %sign3A_28 = arith.cmpi sgt, %scan3A_27, %sign3A : i32
      %sign3A_29 = arith.extui %sign3A_28 : i1 to i32
      %sign3A_30 = arith.constant 0 : i32
      %sign3A_31 = arith.cmpi slt, %scan3A_27, %sign3A_30 : i32
      %sign3A_32 = arith.extui %sign3A_31 : i1 to i32
      %sign3A_33 = arith.subi %sign3A_29, %sign3A_32 : i32
      %sign3A_34 = arith.constant 0 : i32
      %sign3A_35 = arith.cmpi sgt, %jit3A, %sign3A_34 : i32
      %sign3A_36 = arith.extui %sign3A_35 : i1 to i32
      %sign3A_37 = arith.constant 0 : i32
      %sign3A_38 = arith.cmpi slt, %jit3A, %sign3A_37 : i32
      %sign3A_39 = arith.extui %sign3A_38 : i1 to i32
      %sign3A_40 = arith.subi %sign3A_36, %sign3A_39 : i32
      %ne3A = arith.cmpi ne, %sign3A_33, %sign3A_40 : i32
      %rem3A = arith.remsi %scan3A_27, %jit3A : i32
      %ne3A_41 = arith.constant 0 : i32
      %ne3A_42 = arith.cmpi ne, %rem3A, %ne3A_41 : i32
      %and3A = arith.andi %ne3A, %ne3A_42 : i1
      %sub3A = arith.constant 1 : i32
      %sub3A_43 = arith.subi %div3A, %sub3A : i32
      %select_n3A = arith.select %and3A, %sub3A_43, %div3A : i32
      %jit3A_44 = arith.constant 8 : i32
      %eq3A = arith.constant 0 : i32
      %eq3A_45 = arith.cmpi eq, %jit3A_44, %eq3A : i32
      %jit3A_46 = arith.constant 1 : i32
      %select_n3A_47 = arith.select %eq3A_45, %jit3A_46, %jit3A_44 : i32
      %rem3A_48 = arith.remsi %scan3A_27, %select_n3A_47 : i32
      %ne3A_49 = arith.constant 0 : i32
      %ne3A_50 = arith.cmpi ne, %rem3A_48, %ne3A_49 : i32
      %lt3A = arith.constant 0 : i32
      %lt3A_51 = arith.cmpi slt, %rem3A_48, %lt3A : i32
      %lt3A_52 = arith.constant 0 : i32
      %lt3A_53 = arith.cmpi slt, %select_n3A_47, %lt3A_52 : i32
      %ne3A_54 = arith.xori %lt3A_51, %lt3A_53 : i1
      %and3A_55 = arith.andi %ne3A_54, %ne3A_50 : i1
      %add3A_56 = arith.addi %rem3A_48, %select_n3A_47 : i32
      %select_n3A_57 = arith.select %and3A_55, %add3A_56, %rem3A_48 : i32
      %mul3A_58 = arith.constant 16 : i32
      %mul3A_59 = arith.muli %select_n3A_57, %mul3A_58 : i32
      %swap3A = arith.index_cast %select_n3A : i32 to index
      %swap3A_60 = arith.index_cast %mul3A_59 : i32 to index
      %swap3A_61 = tpu.vector_load %arg7[%swap3A, %swap3A_60] {strides = array<i32>} : memref<128x128xf32, #tpu.memory_space<vmem>>, vector<1x16xf32>,
      %swap3A_62 = vector.shape_cast %swap3A_61 : vector<1x16xf32> to vector<16xf32>
      %swap3A_63 = vector.shape_cast %broadcast_in_dim3A_3 : vector<16xf32> to vector<1x16xf32>
      tpu.vector_store %arg7[%swap3A, %swap3A_60], %swap3A_63 {strides = array<i32>} : memref<128x128xf32, #tpu.memory_space<vmem>>, vector<1x16xf32>,
    }
    %scan3A_8 = arith.constant 1024 : i32
    %scan3A_9 = arith.constant 0 : i32
    %scan3A_10 = arith.constant 0 : i32
    %scan3A_11 = arith.constant 5 : i32
    %scan3A_12 = arith.addi %scan3A_10, %scan3A_11 : i32
    %scan3A_13 = arith.constant 1 : i32
    scf.for %scan3A_27 = %scan3A_10 to %scan3A_12 step %scan3A_13  : i32 {
      %mul3A_28 = arith.constant 640 : i32
      %mul3A_29 = arith.muli %arg1, %mul3A_28 : i32
      %mul3A_30 = arith.constant 128 : i32
      %mul3A_31 = arith.muli %scan3A_27, %mul3A_30 : i32
      %add3A_32 = arith.addi %mul3A_29, %mul3A_31 : i32
      "tpu.region"() ({
        %run_scoped3A_33 = tpu.sem_alloc : memref<!tpu.dma_semaphore, #tpu.memory_space<semaphore_mem>>
        %dma_start3A = arith.constant 0 : i32
        %dma_start3A_34 = tpu.memref_slice %arg6[%add3A_32, %dma_start3A] : memref<10240x128xf32, #tpu.memory_space<vmem_shared>> -> memref<128x128xf32, #tpu.memory_space<vmem_shared>>
        %dma_start3A_35 = arith.constant 0 : i32
        %dma_start3A_36 = tpu.memref_slice %arg6[%add3A_32, %dma_start3A_35] : memref<10240x128xf32, #tpu.memory_space<vmem_shared>> -> memref<128x128xf32, #tpu.memory_space<vmem_shared>>
        tpu.enqueue_dma source(%arg7 : memref<128x128xf32, #tpu.memory_space<vmem>>) target(%dma_start3A_36 : memref<128x128xf32, #tpu.memory_space<vmem_shared>>) target_semaphore(%run_scoped3A_33 : memref<!tpu.dma_semaphore, #tpu.memory_space<semaphore_mem>>)
        %dma_wait3A = arith.constant 0 : i32
        %dma_wait3A_37 = tpu.memref_slice %arg6[%add3A_32, %dma_wait3A] : memref<10240x128xf32, #tpu.memory_space<vmem_shared>> -> memref<128x128xf32, #tpu.memory_space<vmem_shared>>
        %dma_wait3A_38 = arith.constant 0 : i32
        %dma_wait3A_39 = tpu.memref_slice %arg6[%add3A_32, %dma_wait3A_38] : memref<10240x128xf32, #tpu.memory_space<vmem_shared>> -> memref<128x128xf32, #tpu.memory_space<vmem_shared>>
        tpu.wait_dma2 semaphore(%run_scoped3A_33 : memref<!tpu.dma_semaphore, #tpu.memory_space<semaphore_mem>>) src(%arg7 : memref<128x128xf32, #tpu.memory_space<vmem>>) dst(%dma_wait3A_39 : memref<128x128xf32, #tpu.memory_space<vmem_shared>>)
        tpu.yield
      }) : () -> ()
    }
    %scan3A_14 = arith.constant 5 : i32
    %barrier3A = arith.constant 0 : index
    tpu.barrier barrier_id(%barrier3A)
    %scan3A_15 = arith.constant 0 : i32
    %scan3A_16 = arith.constant 0 : i32
    %scan3A_17 = arith.constant 125 : i32
    %scan3A_18 = arith.addi %scan3A_16, %scan3A_17 : i32
    %scan3A_19 = arith.constant 1 : i32
    scf.for %scan3A_27 = %scan3A_16 to %scan3A_18 step %scan3A_19  : i32 {
      %mul3A_28 = arith.constant 80 : i32
      %mul3A_29 = arith.muli %scan3A_27, %mul3A_28 : i32
      %add3A_30 = arith.addi %mul3A_2, %mul3A_29 : i32
      "tpu.region"() ({
        %run_scoped3A_35 = tpu.sem_alloc : memref<!tpu.dma_semaphore, #tpu.memory_space<semaphore_mem>>
        %dma_start3A_36 = tpu.memref_slice %arg3[%add3A_30] : memref<320000xi32, #tpu.memory_space<hbm>> -> memref<80xi32, #tpu.memory_space<hbm>>
        %dma_start3A_37 = tpu.memref_slice %arg3[%add3A_30] : memref<320000xi32, #tpu.memory_space<hbm>> -> memref<80xi32, #tpu.memory_space<hbm>>
        tpu.enqueue_dma source(%dma_start3A_37 : memref<80xi32, #tpu.memory_space<hbm>>) target(%arg8 : memref<80xi32, #tpu.memory_space<vmem>>) target_semaphore(%run_scoped3A_35 : memref<!tpu.dma_semaphore, #tpu.memory_space<semaphore_mem>>)
        %dma_wait3A_38 = tpu.memref_slice %arg3[%add3A_30] : memref<320000xi32, #tpu.memory_space<hbm>> -> memref<80xi32, #tpu.memory_space<hbm>>
        %dma_wait3A_39 = tpu.memref_slice %arg3[%add3A_30] : memref<320000xi32, #tpu.memory_space<hbm>> -> memref<80xi32, #tpu.memory_space<hbm>>
        tpu.wait_dma2 semaphore(%run_scoped3A_35 : memref<!tpu.dma_semaphore, #tpu.memory_space<semaphore_mem>>) src(%dma_wait3A_39 : memref<80xi32, #tpu.memory_space<hbm>>) dst(%arg8 : memref<80xi32, #tpu.memory_space<vmem>>)
        tpu.yield
      }) : () -> ()
      "tpu.region"() ({
        %run_scoped3A_35 = tpu.sem_alloc : memref<!tpu.dma_semaphore, #tpu.memory_space<semaphore_mem>>
        %dma_start3A_36 = tpu.memref_slice %arg4[%add3A_30] : memref<320000xi32, #tpu.memory_space<hbm>> -> memref<80xi32, #tpu.memory_space<hbm>>
        %dma_start3A_37 = tpu.memref_slice %arg4[%add3A_30] : memref<320000xi32, #tpu.memory_space<hbm>> -> memref<80xi32, #tpu.memory_space<hbm>>
        tpu.enqueue_dma source(%dma_start3A_37 : memref<80xi32, #tpu.memory_space<hbm>>) target(%arg9 : memref<80xi32, #tpu.memory_space<vmem>>) target_semaphore(%run_scoped3A_35 : memref<!tpu.dma_semaphore, #tpu.memory_space<semaphore_mem>>)
        %dma_wait3A_38 = tpu.memref_slice %arg4[%add3A_30] : memref<320000xi32, #tpu.memory_space<hbm>> -> memref<80xi32, #tpu.memory_space<hbm>>
        %dma_wait3A_39 = tpu.memref_slice %arg4[%add3A_30] : memref<320000xi32, #tpu.memory_space<hbm>> -> memref<80xi32, #tpu.memory_space<hbm>>
        tpu.wait_dma2 semaphore(%run_scoped3A_35 : memref<!tpu.dma_semaphore, #tpu.memory_space<semaphore_mem>>) src(%dma_wait3A_39 : memref<80xi32, #tpu.memory_space<hbm>>) dst(%arg9 : memref<80xi32, #tpu.memory_space<vmem>>)
        tpu.yield
      }) : () -> ()
      %dma_start3A = arith.constant 0 : i32
      %dma_start3A_31 = arith.constant 0 : i32
      %dma_start3A_32 = tpu.memref_slice %arg2[%dma_start3A, %dma_start3A_31] : memref<10000x128xf32, #tpu.memory_space<hbm>> -> memref<10000x128xf32, #tpu.memory_space<hbm>>
      tpu.enqueue_indirect_dma source(%dma_start3A_32 : memref<10000x128xf32, #tpu.memory_space<hbm>>) target(%arg10 : memref<80x128xf32, #tpu.memory_space<vmem>>) offsets(%arg8 : memref<80xi32, #tpu.memory_space<vmem>>) semaphore(%arg11 : memref<!tpu.dma_semaphore, #tpu.memory_space<semaphore_mem>>)
      %dma_wait3A = arith.constant 0 : i32
      %dma_wait3A_33 = arith.constant 0 : i32
      %dma_wait3A_34 = tpu.memref_slice %arg2[%dma_wait3A, %dma_wait3A_33] : memref<10000x128xf32, #tpu.memory_space<hbm>> -> memref<10000x128xf32, #tpu.memory_space<hbm>>
      tpu.wait_indirect_dma semaphore(%arg11 : memref<!tpu.dma_semaphore, #tpu.memory_space<semaphore_mem>>) src(%dma_wait3A_34 : memref<10000x128xf32, #tpu.memory_space<hbm>>) dst(%arg10 : memref<80x128xf32, #tpu.memory_space<vmem>>)
      "tpu.region"() ({
        %run_scoped3A_35 = tpu.sem_alloc : memref<!tpu.dma_semaphore, #tpu.memory_space<semaphore_mem>>
        %dma_start3A_36 = arith.constant 0 : i32
        %dma_start3A_37 = arith.constant 0 : i32
        %dma_start3A_38 = tpu.memref_slice %arg6[%dma_start3A_36, %dma_start3A_37] : memref<10240x128xf32, #tpu.memory_space<vmem_shared>> -> memref<10240x128xf32, #tpu.memory_space<vmem_shared>>
        tpu.enqueue_indirect_dma source(%arg10 : memref<80x128xf32, #tpu.memory_space<vmem>>) target(%dma_start3A_38 : memref<10240x128xf32, #tpu.memory_space<vmem_shared>>) offsets(%arg9 : memref<80xi32, #tpu.memory_space<vmem>>) semaphore(%run_scoped3A_35 : memref<!tpu.dma_semaphore, #tpu.memory_space<semaphore_mem>>) {add = true}
        %dma_wait3A_39 = arith.constant 0 : i32
        %dma_wait3A_40 = arith.constant 0 : i32
        %dma_wait3A_41 = tpu.memref_slice %arg6[%dma_wait3A_39, %dma_wait3A_40] : memref<10240x128xf32, #tpu.memory_space<vmem_shared>> -> memref<10240x128xf32, #tpu.memory_space<vmem_shared>>
        tpu.wait_indirect_dma semaphore(%run_scoped3A_35 : memref<!tpu.dma_semaphore, #tpu.memory_space<semaphore_mem>>) src(%arg10 : memref<80x128xf32, #tpu.memory_space<vmem>>) dst(%dma_wait3A_41 : memref<10240x128xf32, #tpu.memory_space<vmem_shared>>)
        tpu.yield
      }) : () -> ()
    }
    %scan3A_20 = arith.constant 125 : i32
    %barrier3A_21 = arith.constant 0 : index
    tpu.barrier barrier_id(%barrier3A_21)
    %mul3A_22 = arith.constant 640 : i32
    %mul3A_23 = arith.muli %arg1, %mul3A_22 : i32
    %mul3A_24 = arith.constant 640 : i32
    %mul3A_25 = arith.muli %arg1, %mul3A_24 : i32
    %run_scoped3A = arith.constant 0 : i32
    "tpu.region"() ({
      %run_scoped3A_27 = tpu.sem_alloc : memref<!tpu.dma_semaphore, #tpu.memory_space<semaphore_mem>>
      %dma_start3A = arith.constant 0 : i32
      %dma_start3A_28 = tpu.memref_slice %arg5[%arg0, %run_scoped3A, %mul3A_25, %dma_start3A] : memref<2x1x10240x128xf32, #tpu.memory_space<hbm>> -> memref<1x1x640x128xf32, #tpu.memory_space<hbm>>
      %dma_start3A_29 = tpu.memref_squeeze %dma_start3A_28 : memref<1x1x640x128xf32, #tpu.memory_space<hbm>> -> memref<640x128xf32, #tpu.memory_space<hbm>>
      %dma_start3A_30 = arith.constant 0 : i32
      %dma_start3A_31 = tpu.memref_slice %arg6[%mul3A_23, %dma_start3A_30] : memref<10240x128xf32, #tpu.memory_space<vmem_shared>> -> memref<640x128xf32, #tpu.memory_space<vmem_shared>>
      tpu.enqueue_dma source(%dma_start3A_31 : memref<640x128xf32, #tpu.memory_space<vmem_shared>>) target(%dma_start3A_29 : memref<640x128xf32, #tpu.memory_space<hbm>>) target_semaphore(%run_scoped3A_27 : memref<!tpu.dma_semaphore, #tpu.memory_space<semaphore_mem>>)
      %dma_wait3A = arith.constant 0 : i32
      %dma_wait3A_32 = tpu.memref_slice %arg5[%arg0, %run_scoped3A, %mul3A_25, %dma_wait3A] : memref<2x1x10240x128xf32, #tpu.memory_space<hbm>> -> memref<1x1x640x128xf32, #tpu.memory_space<hbm>>
      %dma_wait3A_33 = tpu.memref_squeeze %dma_wait3A_32 : memref<1x1x640x128xf32, #tpu.memory_space<hbm>> -> memref<640x128xf32, #tpu.memory_space<hbm>>
      %dma_wait3A_34 = arith.constant 0 : i32
      %dma_wait3A_35 = tpu.memref_slice %arg6[%mul3A_23, %dma_wait3A_34] : memref<10240x128xf32, #tpu.memory_space<vmem_shared>> -> memref<640x128xf32, #tpu.memory_space<vmem_shared>>
      tpu.wait_dma2 semaphore(%run_scoped3A_27 : memref<!tpu.dma_semaphore, #tpu.memory_space<semaphore_mem>>) src(%dma_wait3A_35 : memref<640x128xf32, #tpu.memory_space<vmem_shared>>) dst(%dma_wait3A_33 : memref<640x128xf32, #tpu.memory_space<hbm>>)
      tpu.yield
    }) : () -> ()
    %barrier3A_26 = arith.constant 0 : index
    tpu.barrier barrier_id(%barrier3A_26)
    return
  }
}

#map = affine_map<(d0, d1) -> (0, 0)>
#map1 = affine_map<(d0, d1) -> (0)>
#map2 = affine_map<(d0, d1) -> (0, 0, 0, 0)>
module attributes {stable_mosaic.version = 14 : i64} {
  func.func @body(%arg0: i32, %arg1: i32, %arg2: memref<40000x128xf32, #tpu.memory_space<hbm>>, %arg3: memref<320000xi32, #tpu.memory_space<hbm>>, %arg4: memref<320000xi32, #tpu.memory_space<hbm>>, %arg5: memref<2x4x10240x128xf32, #tpu.memory_space<hbm>>, %arg6: memref<10240x128xf32, #tpu.memory_space<vmem_shared>>, %arg7: memref<128x128xf32, #tpu.memory_space<vmem>>, %arg8: memref<80xi32, #tpu.memory_space<vmem>>, %arg9: memref<80xi32, #tpu.memory_space<vmem>>, %arg10: memref<80x128xf32, #tpu.memory_space<vmem>>, %arg11: memref<!tpu.dma_semaphore, #tpu.memory_space<semaphore_mem>>) attributes {dimension_semantics = [#tpu.dimension_semantics<core_parallel>, #tpu.dimension_semantics<subcore_parallel>], iteration_bounds = array<i64: 2, 16>, scalar_prefetch = 0 : i64, scratch_operands = 6 : i64, tpu.core_type = #tpu.core_type<sc_vector_subcore>, window_params = [{transform_indices = #map}, {transform_indices = #map1}, {transform_indices = #map1}, {transform_indices = #map2}]} {
    %mul3A = arith.constant 16 : i32
    %mul3A_0 = arith.muli %arg0, %mul3A : i32
    %add3A = arith.addi %mul3A_0, %arg1 : i32
    %mul3A_1 = arith.constant 10000 : i32
    %mul3A_2 = arith.muli %add3A, %mul3A_1 : i32
    %broadcast_in_dim3A = arith.constant 0.000000e+00 : f32
    %broadcast_in_dim3A_3 = vector.broadcast %broadcast_in_dim3A : f32 to vector<16xf32>
    %scan3A = arith.constant 0 : i32
    %scan3A_4 = arith.constant 0 : i32
    %scan3A_5 = arith.constant 1024 : i32
    %scan3A_6 = arith.addi %scan3A_4, %scan3A_5 : i32
    %scan3A_7 = arith.constant 1 : i32
    scf.for %scan3A_87 = %scan3A_4 to %scan3A_6 step %scan3A_7  : i32 {
      %jit3A = arith.constant 8 : i32
      %div3A = arith.divsi %scan3A_87, %jit3A : i32
      %sign3A = arith.constant 0 : i32
      %sign3A_88 = arith.cmpi sgt, %scan3A_87, %sign3A : i32
      %sign3A_89 = arith.extui %sign3A_88 : i1 to i32
      %sign3A_90 = arith.constant 0 : i32
      %sign3A_91 = arith.cmpi slt, %scan3A_87, %sign3A_90 : i32
      %sign3A_92 = arith.extui %sign3A_91 : i1 to i32
      %sign3A_93 = arith.subi %sign3A_89, %sign3A_92 : i32
      %sign3A_94 = arith.constant 0 : i32
      %sign3A_95 = arith.cmpi sgt, %jit3A, %sign3A_94 : i32
      %sign3A_96 = arith.extui %sign3A_95 : i1 to i32
      %sign3A_97 = arith.constant 0 : i32
      %sign3A_98 = arith.cmpi slt, %jit3A, %sign3A_97 : i32
      %sign3A_99 = arith.extui %sign3A_98 : i1 to i32
      %sign3A_100 = arith.subi %sign3A_96, %sign3A_99 : i32
      %ne3A = arith.cmpi ne, %sign3A_93, %sign3A_100 : i32
      %rem3A = arith.remsi %scan3A_87, %jit3A : i32
      %ne3A_101 = arith.constant 0 : i32
      %ne3A_102 = arith.cmpi ne, %rem3A, %ne3A_101 : i32
      %and3A = arith.andi %ne3A, %ne3A_102 : i1
      %sub3A = arith.constant 1 : i32
      %sub3A_103 = arith.subi %div3A, %sub3A : i32
      %select_n3A = arith.select %and3A, %sub3A_103, %div3A : i32
      %jit3A_104 = arith.constant 8 : i32
      %eq3A = arith.constant 0 : i32
      %eq3A_105 = arith.cmpi eq, %jit3A_104, %eq3A : i32
      %jit3A_106 = arith.constant 1 : i32
      %select_n3A_107 = arith.select %eq3A_105, %jit3A_106, %jit3A_104 : i32
      %rem3A_108 = arith.remsi %scan3A_87, %select_n3A_107 : i32
      %ne3A_109 = arith.constant 0 : i32
      %ne3A_110 = arith.cmpi ne, %rem3A_108, %ne3A_109 : i32
      %lt3A = arith.constant 0 : i32
      %lt3A_111 = arith.cmpi slt, %rem3A_108, %lt3A : i32
      %lt3A_112 = arith.constant 0 : i32
      %lt3A_113 = arith.cmpi slt, %select_n3A_107, %lt3A_112 : i32
      %ne3A_114 = arith.xori %lt3A_111, %lt3A_113 : i1
      %and3A_115 = arith.andi %ne3A_114, %ne3A_110 : i1
      %add3A_116 = arith.addi %rem3A_108, %select_n3A_107 : i32
      %select_n3A_117 = arith.select %and3A_115, %add3A_116, %rem3A_108 : i32
      %mul3A_118 = arith.constant 16 : i32
      %mul3A_119 = arith.muli %select_n3A_117, %mul3A_118 : i32
      %swap3A = arith.index_cast %select_n3A : i32 to index
      %swap3A_120 = arith.index_cast %mul3A_119 : i32 to index
      %swap3A_121 = tpu.vector_load %arg7[%swap3A, %swap3A_120] {strides = array<i32>} : memref<128x128xf32, #tpu.memory_space<vmem>>, vector<1x16xf32>,
      %swap3A_122 = vector.shape_cast %swap3A_121 : vector<1x16xf32> to vector<16xf32>
      %swap3A_123 = vector.shape_cast %broadcast_in_dim3A_3 : vector<16xf32> to vector<1x16xf32>
      tpu.vector_store %arg7[%swap3A, %swap3A_120], %swap3A_123 {strides = array<i32>} : memref<128x128xf32, #tpu.memory_space<vmem>>, vector<1x16xf32>,
    }
    %scan3A_8 = arith.constant 1024 : i32
    %scan3A_9 = arith.constant 0 : i32
    %scan3A_10 = arith.constant 0 : i32
    %scan3A_11 = arith.constant 5 : i32
    %scan3A_12 = arith.addi %scan3A_10, %scan3A_11 : i32
    %scan3A_13 = arith.constant 1 : i32
    scf.for %scan3A_87 = %scan3A_10 to %scan3A_12 step %scan3A_13  : i32 {
      %mul3A_88 = arith.constant 640 : i32
      %mul3A_89 = arith.muli %arg1, %mul3A_88 : i32
      %mul3A_90 = arith.constant 128 : i32
      %mul3A_91 = arith.muli %scan3A_87, %mul3A_90 : i32
      %add3A_92 = arith.addi %mul3A_89, %mul3A_91 : i32
      "tpu.region"() ({
        %run_scoped3A_93 = tpu.sem_alloc : memref<!tpu.dma_semaphore, #tpu.memory_space<semaphore_mem>>
        %dma_start3A = arith.constant 0 : i32
        %dma_start3A_94 = tpu.memref_slice %arg6[%add3A_92, %dma_start3A] : memref<10240x128xf32, #tpu.memory_space<vmem_shared>> -> memref<128x128xf32, #tpu.memory_space<vmem_shared>>
        %dma_start3A_95 = arith.constant 0 : i32
        %dma_start3A_96 = tpu.memref_slice %arg6[%add3A_92, %dma_start3A_95] : memref<10240x128xf32, #tpu.memory_space<vmem_shared>> -> memref<128x128xf32, #tpu.memory_space<vmem_shared>>
        tpu.enqueue_dma source(%arg7 : memref<128x128xf32, #tpu.memory_space<vmem>>) target(%dma_start3A_96 : memref<128x128xf32, #tpu.memory_space<vmem_shared>>) target_semaphore(%run_scoped3A_93 : memref<!tpu.dma_semaphore, #tpu.memory_space<semaphore_mem>>)
        %dma_wait3A = arith.constant 0 : i32
        %dma_wait3A_97 = tpu.memref_slice %arg6[%add3A_92, %dma_wait3A] : memref<10240x128xf32, #tpu.memory_space<vmem_shared>> -> memref<128x128xf32, #tpu.memory_space<vmem_shared>>
        %dma_wait3A_98 = arith.constant 0 : i32
        %dma_wait3A_99 = tpu.memref_slice %arg6[%add3A_92, %dma_wait3A_98] : memref<10240x128xf32, #tpu.memory_space<vmem_shared>> -> memref<128x128xf32, #tpu.memory_space<vmem_shared>>
        tpu.wait_dma2 semaphore(%run_scoped3A_93 : memref<!tpu.dma_semaphore, #tpu.memory_space<semaphore_mem>>) src(%arg7 : memref<128x128xf32, #tpu.memory_space<vmem>>) dst(%dma_wait3A_99 : memref<128x128xf32, #tpu.memory_space<vmem_shared>>)
        tpu.yield
      }) : () -> ()
    }
    %scan3A_14 = arith.constant 5 : i32
    %barrier3A = arith.constant 0 : index
    tpu.barrier barrier_id(%barrier3A)
    %scan3A_15 = arith.constant 0 : i32
    %scan3A_16 = arith.constant 0 : i32
    %scan3A_17 = arith.constant 125 : i32
    %scan3A_18 = arith.addi %scan3A_16, %scan3A_17 : i32
    %scan3A_19 = arith.constant 1 : i32
    scf.for %scan3A_87 = %scan3A_16 to %scan3A_18 step %scan3A_19  : i32 {
      %mul3A_88 = arith.constant 80 : i32
      %mul3A_89 = arith.muli %scan3A_87, %mul3A_88 : i32
      %add3A_90 = arith.addi %mul3A_2, %mul3A_89 : i32
      "tpu.region"() ({
        %run_scoped3A_95 = tpu.sem_alloc : memref<!tpu.dma_semaphore, #tpu.memory_space<semaphore_mem>>
        %dma_start3A_96 = tpu.memref_slice %arg3[%add3A_90] : memref<320000xi32, #tpu.memory_space<hbm>> -> memref<80xi32, #tpu.memory_space<hbm>>
        %dma_start3A_97 = tpu.memref_slice %arg3[%add3A_90] : memref<320000xi32, #tpu.memory_space<hbm>> -> memref<80xi32, #tpu.memory_space<hbm>>
        tpu.enqueue_dma source(%dma_start3A_97 : memref<80xi32, #tpu.memory_space<hbm>>) target(%arg8 : memref<80xi32, #tpu.memory_space<vmem>>) target_semaphore(%run_scoped3A_95 : memref<!tpu.dma_semaphore, #tpu.memory_space<semaphore_mem>>)
        %dma_wait3A_98 = tpu.memref_slice %arg3[%add3A_90] : memref<320000xi32, #tpu.memory_space<hbm>> -> memref<80xi32, #tpu.memory_space<hbm>>
        %dma_wait3A_99 = tpu.memref_slice %arg3[%add3A_90] : memref<320000xi32, #tpu.memory_space<hbm>> -> memref<80xi32, #tpu.memory_space<hbm>>
        tpu.wait_dma2 semaphore(%run_scoped3A_95 : memref<!tpu.dma_semaphore, #tpu.memory_space<semaphore_mem>>) src(%dma_wait3A_99 : memref<80xi32, #tpu.memory_space<hbm>>) dst(%arg8 : memref<80xi32, #tpu.memory_space<vmem>>)
        tpu.yield
      }) : () -> ()
      "tpu.region"() ({
        %run_scoped3A_95 = tpu.sem_alloc : memref<!tpu.dma_semaphore, #tpu.memory_space<semaphore_mem>>
        %dma_start3A_96 = tpu.memref_slice %arg4[%add3A_90] : memref<320000xi32, #tpu.memory_space<hbm>> -> memref<80xi32, #tpu.memory_space<hbm>>
        %dma_start3A_97 = tpu.memref_slice %arg4[%add3A_90] : memref<320000xi32, #tpu.memory_space<hbm>> -> memref<80xi32, #tpu.memory_space<hbm>>
        tpu.enqueue_dma source(%dma_start3A_97 : memref<80xi32, #tpu.memory_space<hbm>>) target(%arg9 : memref<80xi32, #tpu.memory_space<vmem>>) target_semaphore(%run_scoped3A_95 : memref<!tpu.dma_semaphore, #tpu.memory_space<semaphore_mem>>)
        %dma_wait3A_98 = tpu.memref_slice %arg4[%add3A_90] : memref<320000xi32, #tpu.memory_space<hbm>> -> memref<80xi32, #tpu.memory_space<hbm>>
        %dma_wait3A_99 = tpu.memref_slice %arg4[%add3A_90] : memref<320000xi32, #tpu.memory_space<hbm>> -> memref<80xi32, #tpu.memory_space<hbm>>
        tpu.wait_dma2 semaphore(%run_scoped3A_95 : memref<!tpu.dma_semaphore, #tpu.memory_space<semaphore_mem>>) src(%dma_wait3A_99 : memref<80xi32, #tpu.memory_space<hbm>>) dst(%arg9 : memref<80xi32, #tpu.memory_space<vmem>>)
        tpu.yield
      }) : () -> ()
      %dma_start3A = arith.constant 0 : i32
      %dma_start3A_91 = arith.constant 0 : i32
      %dma_start3A_92 = tpu.memref_slice %arg2[%dma_start3A, %dma_start3A_91] : memref<40000x128xf32, #tpu.memory_space<hbm>> -> memref<40000x128xf32, #tpu.memory_space<hbm>>
      tpu.enqueue_indirect_dma source(%dma_start3A_92 : memref<40000x128xf32, #tpu.memory_space<hbm>>) target(%arg10 : memref<80x128xf32, #tpu.memory_space<vmem>>) offsets(%arg8 : memref<80xi32, #tpu.memory_space<vmem>>) semaphore(%arg11 : memref<!tpu.dma_semaphore, #tpu.memory_space<semaphore_mem>>)
      %dma_wait3A = arith.constant 0 : i32
      %dma_wait3A_93 = arith.constant 0 : i32
      %dma_wait3A_94 = tpu.memref_slice %arg2[%dma_wait3A, %dma_wait3A_93] : memref<40000x128xf32, #tpu.memory_space<hbm>> -> memref<40000x128xf32, #tpu.memory_space<hbm>>
      tpu.wait_indirect_dma semaphore(%arg11 : memref<!tpu.dma_semaphore, #tpu.memory_space<semaphore_mem>>) src(%dma_wait3A_94 : memref<40000x128xf32, #tpu.memory_space<hbm>>) dst(%arg10 : memref<80x128xf32, #tpu.memory_space<vmem>>)
      "tpu.region"() ({
        %run_scoped3A_95 = tpu.sem_alloc : memref<!tpu.dma_semaphore, #tpu.memory_space<semaphore_mem>>
        %dma_start3A_96 = arith.constant 0 : i32
        %dma_start3A_97 = arith.constant 0 : i32
        %dma_start3A_98 = tpu.memref_slice %arg6[%dma_start3A_96, %dma_start3A_97] : memref<10240x128xf32, #tpu.memory_space<vmem_shared>> -> memref<10240x128xf32, #tpu.memory_space<vmem_shared>>
        tpu.enqueue_indirect_dma source(%arg10 : memref<80x128xf32, #tpu.memory_space<vmem>>) target(%dma_start3A_98 : memref<10240x128xf32, #tpu.memory_space<vmem_shared>>) offsets(%arg9 : memref<80xi32, #tpu.memory_space<vmem>>) semaphore(%run_scoped3A_95 : memref<!tpu.dma_semaphore, #tpu.memory_space<semaphore_mem>>) {add = true}
        %dma_wait3A_99 = arith.constant 0 : i32
        %dma_wait3A_100 = arith.constant 0 : i32
        %dma_wait3A_101 = tpu.memref_slice %arg6[%dma_wait3A_99, %dma_wait3A_100] : memref<10240x128xf32, #tpu.memory_space<vmem_shared>> -> memref<10240x128xf32, #tpu.memory_space<vmem_shared>>
        tpu.wait_indirect_dma semaphore(%run_scoped3A_95 : memref<!tpu.dma_semaphore, #tpu.memory_space<semaphore_mem>>) src(%arg10 : memref<80x128xf32, #tpu.memory_space<vmem>>) dst(%dma_wait3A_101 : memref<10240x128xf32, #tpu.memory_space<vmem_shared>>)
        tpu.yield
      }) : () -> ()
    }
    %scan3A_20 = arith.constant 125 : i32
    %barrier3A_21 = arith.constant 0 : index
    tpu.barrier barrier_id(%barrier3A_21)
    %mul3A_22 = arith.constant 640 : i32
    %mul3A_23 = arith.muli %arg1, %mul3A_22 : i32
    %mul3A_24 = arith.constant 640 : i32
    %mul3A_25 = arith.muli %arg1, %mul3A_24 : i32
    %run_scoped3A = arith.constant 0 : i32
    "tpu.region"() ({
      %run_scoped3A_87 = tpu.sem_alloc : memref<!tpu.dma_semaphore, #tpu.memory_space<semaphore_mem>>
      %dma_start3A = arith.constant 0 : i32
      %dma_start3A_88 = tpu.memref_slice %arg5[%arg0, %run_scoped3A, %mul3A_25, %dma_start3A] : memref<2x4x10240x128xf32, #tpu.memory_space<hbm>> -> memref<1x1x640x128xf32, #tpu.memory_space<hbm>>
      %dma_start3A_89 = tpu.memref_squeeze %dma_start3A_88 : memref<1x1x640x128xf32, #tpu.memory_space<hbm>> -> memref<640x128xf32, #tpu.memory_space<hbm>>
      %dma_start3A_90 = arith.constant 0 : i32
      %dma_start3A_91 = tpu.memref_slice %arg6[%mul3A_23, %dma_start3A_90] : memref<10240x128xf32, #tpu.memory_space<vmem_shared>> -> memref<640x128xf32, #tpu.memory_space<vmem_shared>>
      tpu.enqueue_dma source(%dma_start3A_91 : memref<640x128xf32, #tpu.memory_space<vmem_shared>>) target(%dma_start3A_89 : memref<640x128xf32, #tpu.memory_space<hbm>>) target_semaphore(%run_scoped3A_87 : memref<!tpu.dma_semaphore, #tpu.memory_space<semaphore_mem>>)
      %dma_wait3A = arith.constant 0 : i32
      %dma_wait3A_92 = tpu.memref_slice %arg5[%arg0, %run_scoped3A, %mul3A_25, %dma_wait3A] : memref<2x4x10240x128xf32, #tpu.memory_space<hbm>> -> memref<1x1x640x128xf32, #tpu.memory_space<hbm>>
      %dma_wait3A_93 = tpu.memref_squeeze %dma_wait3A_92 : memref<1x1x640x128xf32, #tpu.memory_space<hbm>> -> memref<640x128xf32, #tpu.memory_space<hbm>>
      %dma_wait3A_94 = arith.constant 0 : i32
      %dma_wait3A_95 = tpu.memref_slice %arg6[%mul3A_23, %dma_wait3A_94] : memref<10240x128xf32, #tpu.memory_space<vmem_shared>> -> memref<640x128xf32, #tpu.memory_space<vmem_shared>>
      tpu.wait_dma2 semaphore(%run_scoped3A_87 : memref<!tpu.dma_semaphore, #tpu.memory_space<semaphore_mem>>) src(%dma_wait3A_95 : memref<640x128xf32, #tpu.memory_space<vmem_shared>>) dst(%dma_wait3A_93 : memref<640x128xf32, #tpu.memory_space<hbm>>)
      tpu.yield
    }) : () -> ()
    %barrier3A_26 = arith.constant 0 : index
    tpu.barrier barrier_id(%barrier3A_26)
    %scan3A_27 = arith.constant 0 : i32
    %scan3A_28 = arith.constant 0 : i32
    %scan3A_29 = arith.constant 5 : i32
    %scan3A_30 = arith.addi %scan3A_28, %scan3A_29 : i32
    %scan3A_31 = arith.constant 1 : i32
    scf.for %scan3A_87 = %scan3A_28 to %scan3A_30 step %scan3A_31  : i32 {
      %mul3A_88 = arith.constant 640 : i32
      %mul3A_89 = arith.muli %arg1, %mul3A_88 : i32
      %mul3A_90 = arith.constant 128 : i32
      %mul3A_91 = arith.muli %scan3A_87, %mul3A_90 : i32
      %add3A_92 = arith.addi %mul3A_89, %mul3A_91 : i32
      "tpu.region"() ({
        %run_scoped3A_93 = tpu.sem_alloc : memref<!tpu.dma_semaphore, #tpu.memory_space<semaphore_mem>>
        %dma_start3A = arith.constant 0 : i32
        %dma_start3A_94 = tpu.memref_slice %arg6[%add3A_92, %dma_start3A] : memref<10240x128xf32, #tpu.memory_space<vmem_shared>> -> memref<128x128xf32, #tpu.memory_space<vmem_shared>>
        %dma_start3A_95 = arith.constant 0 : i32
        %dma_start3A_96 = tpu.memref_slice %arg6[%add3A_92, %dma_start3A_95] : memref<10240x128xf32, #tpu.memory_space<vmem_shared>> -> memref<128x128xf32, #tpu.memory_space<vmem_shared>>
        tpu.enqueue_dma source(%arg7 : memref<128x128xf32, #tpu.memory_space<vmem>>) target(%dma_start3A_96 : memref<128x128xf32, #tpu.memory_space<vmem_shared>>) target_semaphore(%run_scoped3A_93 : memref<!tpu.dma_semaphore, #tpu.memory_space<semaphore_mem>>)
        %dma_wait3A = arith.constant 0 : i32
        %dma_wait3A_97 = tpu.memref_slice %arg6[%add3A_92, %dma_wait3A] : memref<10240x128xf32, #tpu.memory_space<vmem_shared>> -> memref<128x128xf32, #tpu.memory_space<vmem_shared>>
        %dma_wait3A_98 = arith.constant 0 : i32
        %dma_wait3A_99 = tpu.memref_slice %arg6[%add3A_92, %dma_wait3A_98] : memref<10240x128xf32, #tpu.memory_space<vmem_shared>> -> memref<128x128xf32, #tpu.memory_space<vmem_shared>>
        tpu.wait_dma2 semaphore(%run_scoped3A_93 : memref<!tpu.dma_semaphore, #tpu.memory_space<semaphore_mem>>) src(%arg7 : memref<128x128xf32, #tpu.memory_space<vmem>>) dst(%dma_wait3A_99 : memref<128x128xf32, #tpu.memory_space<vmem_shared>>)
        tpu.yield
      }) : () -> ()
    }
    %scan3A_32 = arith.constant 5 : i32
    %barrier3A_33 = arith.constant 0 : index
    tpu.barrier barrier_id(%barrier3A_33)
    %scan3A_34 = arith.constant 0 : i32
    %scan3A_35 = arith.constant 0 : i32
    %scan3A_36 = arith.constant 125 : i32
    %scan3A_37 = arith.addi %scan3A_35, %scan3A_36 : i32
    %scan3A_38 = arith.constant 1 : i32
    scf.for %scan3A_87 = %scan3A_35 to %scan3A_37 step %scan3A_38  : i32 {
      %mul3A_88 = arith.constant 80 : i32
      %mul3A_89 = arith.muli %scan3A_87, %mul3A_88 : i32
      %add3A_90 = arith.addi %mul3A_2, %mul3A_89 : i32
      "tpu.region"() ({
        %run_scoped3A_143 = tpu.sem_alloc : memref<!tpu.dma_semaphore, #tpu.memory_space<semaphore_mem>>
        %dma_start3A_144 = tpu.memref_slice %arg3[%add3A_90] : memref<320000xi32, #tpu.memory_space<hbm>> -> memref<80xi32, #tpu.memory_space<hbm>>
        %dma_start3A_145 = tpu.memref_slice %arg3[%add3A_90] : memref<320000xi32, #tpu.memory_space<hbm>> -> memref<80xi32, #tpu.memory_space<hbm>>
        tpu.enqueue_dma source(%dma_start3A_145 : memref<80xi32, #tpu.memory_space<hbm>>) target(%arg8 : memref<80xi32, #tpu.memory_space<vmem>>) target_semaphore(%run_scoped3A_143 : memref<!tpu.dma_semaphore, #tpu.memory_space<semaphore_mem>>)
        %dma_wait3A_146 = tpu.memref_slice %arg3[%add3A_90] : memref<320000xi32, #tpu.memory_space<hbm>> -> memref<80xi32, #tpu.memory_space<hbm>>
        %dma_wait3A_147 = tpu.memref_slice %arg3[%add3A_90] : memref<320000xi32, #tpu.memory_space<hbm>> -> memref<80xi32, #tpu.memory_space<hbm>>
        tpu.wait_dma2 semaphore(%run_scoped3A_143 : memref<!tpu.dma_semaphore, #tpu.memory_space<semaphore_mem>>) src(%dma_wait3A_147 : memref<80xi32, #tpu.memory_space<hbm>>) dst(%arg8 : memref<80xi32, #tpu.memory_space<vmem>>)
        tpu.yield
      }) : () -> ()
      "tpu.region"() ({
        %run_scoped3A_143 = tpu.sem_alloc : memref<!tpu.dma_semaphore, #tpu.memory_space<semaphore_mem>>
        %dma_start3A_144 = tpu.memref_slice %arg4[%add3A_90] : memref<320000xi32, #tpu.memory_space<hbm>> -> memref<80xi32, #tpu.memory_space<hbm>>
        %dma_start3A_145 = tpu.memref_slice %arg4[%add3A_90] : memref<320000xi32, #tpu.memory_space<hbm>> -> memref<80xi32, #tpu.memory_space<hbm>>
        tpu.enqueue_dma source(%dma_start3A_145 : memref<80xi32, #tpu.memory_space<hbm>>) target(%arg9 : memref<80xi32, #tpu.memory_space<vmem>>) target_semaphore(%run_scoped3A_143 : memref<!tpu.dma_semaphore, #tpu.memory_space<semaphore_mem>>)
        %dma_wait3A_146 = tpu.memref_slice %arg4[%add3A_90] : memref<320000xi32, #tpu.memory_space<hbm>> -> memref<80xi32, #tpu.memory_space<hbm>>
        %dma_wait3A_147 = tpu.memref_slice %arg4[%add3A_90] : memref<320000xi32, #tpu.memory_space<hbm>> -> memref<80xi32, #tpu.memory_space<hbm>>
        tpu.wait_dma2 semaphore(%run_scoped3A_143 : memref<!tpu.dma_semaphore, #tpu.memory_space<semaphore_mem>>) src(%dma_wait3A_147 : memref<80xi32, #tpu.memory_space<hbm>>) dst(%arg9 : memref<80xi32, #tpu.memory_space<vmem>>)
        tpu.yield
      }) : () -> ()
      %get3A = arith.constant 0 : index
      %get3A_91 = tpu.vector_load %arg8[%get3A] {strides = array<i32>} : memref<80xi32, #tpu.memory_space<vmem>>, vector<16xi32>,
      %get3A_92 = vector.shape_cast %get3A_91 : vector<16xi32> to vector<16xi32>
      %add3A_93 = arith.constant 10000 : i32
      %add3A_94 = vector.broadcast %add3A_93 : i32 to vector<16xi32>
      %add3A_95 = arith.addi %get3A_92, %add3A_94 : vector<16xi32>
      %swap3A = arith.constant 0 : index
      %swap3A_96 = tpu.vector_load %arg8[%swap3A] {strides = array<i32>} : memref<80xi32, #tpu.memory_space<vmem>>, vector<16xi32>,
      %swap3A_97 = vector.shape_cast %swap3A_96 : vector<16xi32> to vector<16xi32>
      %swap3A_98 = vector.shape_cast %add3A_95 : vector<16xi32> to vector<16xi32>
      tpu.vector_store %arg8[%swap3A], %swap3A_98 {strides = array<i32>} : memref<80xi32, #tpu.memory_space<vmem>>, vector<16xi32>,
      %get3A_99 = arith.constant 16 : index
      %get3A_100 = tpu.vector_load %arg8[%get3A_99] {strides = array<i32>} : memref<80xi32, #tpu.memory_space<vmem>>, vector<16xi32>,
      %get3A_101 = vector.shape_cast %get3A_100 : vector<16xi32> to vector<16xi32>
      %add3A_102 = arith.constant 10000 : i32
      %add3A_103 = vector.broadcast %add3A_102 : i32 to vector<16xi32>
      %add3A_104 = arith.addi %get3A_101, %add3A_103 : vector<16xi32>
      %swap3A_105 = arith.constant 16 : index
      %swap3A_106 = tpu.vector_load %arg8[%swap3A_105] {strides = array<i32>} : memref<80xi32, #tpu.memory_space<vmem>>, vector<16xi32>,
      %swap3A_107 = vector.shape_cast %swap3A_106 : vector<16xi32> to vector<16xi32>
      %swap3A_108 = vector.shape_cast %add3A_104 : vector<16xi32> to vector<16xi32>
      tpu.vector_store %arg8[%swap3A_105], %swap3A_108 {strides = array<i32>} : memref<80xi32, #tpu.memory_space<vmem>>, vector<16xi32>,
      %get3A_109 = arith.constant 32 : index
      %get3A_110 = tpu.vector_load %arg8[%get3A_109] {strides = array<i32>} : memref<80xi32, #tpu.memory_space<vmem>>, vector<16xi32>,
      %get3A_111 = vector.shape_cast %get3A_110 : vector<16xi32> to vector<16xi32>
      %add3A_112 = arith.constant 10000 : i32
      %add3A_113 = vector.broadcast %add3A_112 : i32 to vector<16xi32>
      %add3A_114 = arith.addi %get3A_111, %add3A_113 : vector<16xi32>
      %swap3A_115 = arith.constant 32 : index
      %swap3A_116 = tpu.vector_load %arg8[%swap3A_115] {strides = array<i32>} : memref<80xi32, #tpu.memory_space<vmem>>, vector<16xi32>,
      %swap3A_117 = vector.shape_cast %swap3A_116 : vector<16xi32> to vector<16xi32>
      %swap3A_118 = vector.shape_cast %add3A_114 : vector<16xi32> to vector<16xi32>
      tpu.vector_store %arg8[%swap3A_115], %swap3A_118 {strides = array<i32>} : memref<80xi32, #tpu.memory_space<vmem>>, vector<16xi32>,
      %get3A_119 = arith.constant 48 : index
      %get3A_120 = tpu.vector_load %arg8[%get3A_119] {strides = array<i32>} : memref<80xi32, #tpu.memory_space<vmem>>, vector<16xi32>,
      %get3A_121 = vector.shape_cast %get3A_120 : vector<16xi32> to vector<16xi32>
      %add3A_122 = arith.constant 10000 : i32
      %add3A_123 = vector.broadcast %add3A_122 : i32 to vector<16xi32>
      %add3A_124 = arith.addi %get3A_121, %add3A_123 : vector<16xi32>
      %swap3A_125 = arith.constant 48 : index
      %swap3A_126 = tpu.vector_load %arg8[%swap3A_125] {strides = array<i32>} : memref<80xi32, #tpu.memory_space<vmem>>, vector<16xi32>,
      %swap3A_127 = vector.shape_cast %swap3A_126 : vector<16xi32> to vector<16xi32>
      %swap3A_128 = vector.shape_cast %add3A_124 : vector<16xi32> to vector<16xi32>
      tpu.vector_store %arg8[%swap3A_125], %swap3A_128 {strides = array<i32>} : memref<80xi32, #tpu.memory_space<vmem>>, vector<16xi32>,
      %get3A_129 = arith.constant 64 : index
      %get3A_130 = tpu.vector_load %arg8[%get3A_129] {strides = array<i32>} : memref<80xi32, #tpu.memory_space<vmem>>, vector<16xi32>,
      %get3A_131 = vector.shape_cast %get3A_130 : vector<16xi32> to vector<16xi32>
      %add3A_132 = arith.constant 10000 : i32
      %add3A_133 = vector.broadcast %add3A_132 : i32 to vector<16xi32>
      %add3A_134 = arith.addi %get3A_131, %add3A_133 : vector<16xi32>
      %swap3A_135 = arith.constant 64 : index
      %swap3A_136 = tpu.vector_load %arg8[%swap3A_135] {strides = array<i32>} : memref<80xi32, #tpu.memory_space<vmem>>, vector<16xi32>,
      %swap3A_137 = vector.shape_cast %swap3A_136 : vector<16xi32> to vector<16xi32>
      %swap3A_138 = vector.shape_cast %add3A_134 : vector<16xi32> to vector<16xi32>
      tpu.vector_store %arg8[%swap3A_135], %swap3A_138 {strides = array<i32>} : memref<80xi32, #tpu.memory_space<vmem>>, vector<16xi32>,
      %dma_start3A = arith.constant 0 : i32
      %dma_start3A_139 = arith.constant 0 : i32
      %dma_start3A_140 = tpu.memref_slice %arg2[%dma_start3A, %dma_start3A_139] : memref<40000x128xf32, #tpu.memory_space<hbm>> -> memref<40000x128xf32, #tpu.memory_space<hbm>>
      tpu.enqueue_indirect_dma source(%dma_start3A_140 : memref<40000x128xf32, #tpu.memory_space<hbm>>) target(%arg10 : memref<80x128xf32, #tpu.memory_space<vmem>>) offsets(%arg8 : memref<80xi32, #tpu.memory_space<vmem>>) semaphore(%arg11 : memref<!tpu.dma_semaphore, #tpu.memory_space<semaphore_mem>>)
      %dma_wait3A = arith.constant 0 : i32
      %dma_wait3A_141 = arith.constant 0 : i32
      %dma_wait3A_142 = tpu.memref_slice %arg2[%dma_wait3A, %dma_wait3A_141] : memref<40000x128xf32, #tpu.memory_space<hbm>> -> memref<40000x128xf32, #tpu.memory_space<hbm>>
      tpu.wait_indirect_dma semaphore(%arg11 : memref<!tpu.dma_semaphore, #tpu.memory_space<semaphore_mem>>) src(%dma_wait3A_142 : memref<40000x128xf32, #tpu.memory_space<hbm>>) dst(%arg10 : memref<80x128xf32, #tpu.memory_space<vmem>>)
      "tpu.region"() ({
        %run_scoped3A_143 = tpu.sem_alloc : memref<!tpu.dma_semaphore, #tpu.memory_space<semaphore_mem>>
        %dma_start3A_144 = arith.constant 0 : i32
        %dma_start3A_145 = arith.constant 0 : i32
        %dma_start3A_146 = tpu.memref_slice %arg6[%dma_start3A_144, %dma_start3A_145] : memref<10240x128xf32, #tpu.memory_space<vmem_shared>> -> memref<10240x128xf32, #tpu.memory_space<vmem_shared>>
        tpu.enqueue_indirect_dma source(%arg10 : memref<80x128xf32, #tpu.memory_space<vmem>>) target(%dma_start3A_146 : memref<10240x128xf32, #tpu.memory_space<vmem_shared>>) offsets(%arg9 : memref<80xi32, #tpu.memory_space<vmem>>) semaphore(%run_scoped3A_143 : memref<!tpu.dma_semaphore, #tpu.memory_space<semaphore_mem>>) {add = true}
        %dma_wait3A_147 = arith.constant 0 : i32
        %dma_wait3A_148 = arith.constant 0 : i32
        %dma_wait3A_149 = tpu.memref_slice %arg6[%dma_wait3A_147, %dma_wait3A_148] : memref<10240x128xf32, #tpu.memory_space<vmem_shared>> -> memref<10240x128xf32, #tpu.memory_space<vmem_shared>>
        tpu.wait_indirect_dma semaphore(%run_scoped3A_143 : memref<!tpu.dma_semaphore, #tpu.memory_space<semaphore_mem>>) src(%arg10 : memref<80x128xf32, #tpu.memory_space<vmem>>) dst(%dma_wait3A_149 : memref<10240x128xf32, #tpu.memory_space<vmem_shared>>)
        tpu.yield
      }) : () -> ()
    }
    %scan3A_39 = arith.constant 125 : i32
    %barrier3A_40 = arith.constant 0 : index
    tpu.barrier barrier_id(%barrier3A_40)
    %mul3A_41 = arith.constant 640 : i32
    %mul3A_42 = arith.muli %arg1, %mul3A_41 : i32
    %mul3A_43 = arith.constant 640 : i32
    %mul3A_44 = arith.muli %arg1, %mul3A_43 : i32
    %run_scoped3A_45 = arith.constant 1 : i32
    "tpu.region"() ({
      %run_scoped3A_87 = tpu.sem_alloc : memref<!tpu.dma_semaphore, #tpu.memory_space<semaphore_mem>>
      %dma_start3A = arith.constant 0 : i32
      %dma_start3A_88 = tpu.memref_slice %arg5[%arg0, %run_scoped3A_45, %mul3A_44, %dma_start3A] : memref<2x4x10240x128xf32, #tpu.memory_space<hbm>> -> memref<1x1x640x128xf32, #tpu.memory_space<hbm>>
      %dma_start3A_89 = tpu.memref_squeeze %dma_start3A_88 : memref<1x1x640x128xf32, #tpu.memory_space<hbm>> -> memref<640x128xf32, #tpu.memory_space<hbm>>
      %dma_start3A_90 = arith.constant 0 : i32
      %dma_start3A_91 = tpu.memref_slice %arg6[%mul3A_42, %dma_start3A_90] : memref<10240x128xf32, #tpu.memory_space<vmem_shared>> -> memref<640x128xf32, #tpu.memory_space<vmem_shared>>
      tpu.enqueue_dma source(%dma_start3A_91 : memref<640x128xf32, #tpu.memory_space<vmem_shared>>) target(%dma_start3A_89 : memref<640x128xf32, #tpu.memory_space<hbm>>) target_semaphore(%run_scoped3A_87 : memref<!tpu.dma_semaphore, #tpu.memory_space<semaphore_mem>>)
      %dma_wait3A = arith.constant 0 : i32
      %dma_wait3A_92 = tpu.memref_slice %arg5[%arg0, %run_scoped3A_45, %mul3A_44, %dma_wait3A] : memref<2x4x10240x128xf32, #tpu.memory_space<hbm>> -> memref<1x1x640x128xf32, #tpu.memory_space<hbm>>
      %dma_wait3A_93 = tpu.memref_squeeze %dma_wait3A_92 : memref<1x1x640x128xf32, #tpu.memory_space<hbm>> -> memref<640x128xf32, #tpu.memory_space<hbm>>
      %dma_wait3A_94 = arith.constant 0 : i32
      %dma_wait3A_95 = tpu.memref_slice %arg6[%mul3A_42, %dma_wait3A_94] : memref<10240x128xf32, #tpu.memory_space<vmem_shared>> -> memref<640x128xf32, #tpu.memory_space<vmem_shared>>
      tpu.wait_dma2 semaphore(%run_scoped3A_87 : memref<!tpu.dma_semaphore, #tpu.memory_space<semaphore_mem>>) src(%dma_wait3A_95 : memref<640x128xf32, #tpu.memory_space<vmem_shared>>) dst(%dma_wait3A_93 : memref<640x128xf32, #tpu.memory_space<hbm>>)
      tpu.yield
    }) : () -> ()
    %barrier3A_46 = arith.constant 0 : index
    tpu.barrier barrier_id(%barrier3A_46)
    %scan3A_47 = arith.constant 0 : i32
    %scan3A_48 = arith.constant 0 : i32
    %scan3A_49 = arith.constant 5 : i32
    %scan3A_50 = arith.addi %scan3A_48, %scan3A_49 : i32
    %scan3A_51 = arith.constant 1 : i32
    scf.for %scan3A_87 = %scan3A_48 to %scan3A_50 step %scan3A_51  : i32 {
      %mul3A_88 = arith.constant 640 : i32
      %mul3A_89 = arith.muli %arg1, %mul3A_88 : i32
      %mul3A_90 = arith.constant 128 : i32
      %mul3A_91 = arith.muli %scan3A_87, %mul3A_90 : i32
      %add3A_92 = arith.addi %mul3A_89, %mul3A_91 : i32
      "tpu.region"() ({
        %run_scoped3A_93 = tpu.sem_alloc : memref<!tpu.dma_semaphore, #tpu.memory_space<semaphore_mem>>
        %dma_start3A = arith.constant 0 : i32
        %dma_start3A_94 = tpu.memref_slice %arg6[%add3A_92, %dma_start3A] : memref<10240x128xf32, #tpu.memory_space<vmem_shared>> -> memref<128x128xf32, #tpu.memory_space<vmem_shared>>
        %dma_start3A_95 = arith.constant 0 : i32
        %dma_start3A_96 = tpu.memref_slice %arg6[%add3A_92, %dma_start3A_95] : memref<10240x128xf32, #tpu.memory_space<vmem_shared>> -> memref<128x128xf32, #tpu.memory_space<vmem_shared>>
        tpu.enqueue_dma source(%arg7 : memref<128x128xf32, #tpu.memory_space<vmem>>) target(%dma_start3A_96 : memref<128x128xf32, #tpu.memory_space<vmem_shared>>) target_semaphore(%run_scoped3A_93 : memref<!tpu.dma_semaphore, #tpu.memory_space<semaphore_mem>>)
        %dma_wait3A = arith.constant 0 : i32
        %dma_wait3A_97 = tpu.memref_slice %arg6[%add3A_92, %dma_wait3A] : memref<10240x128xf32, #tpu.memory_space<vmem_shared>> -> memref<128x128xf32, #tpu.memory_space<vmem_shared>>
        %dma_wait3A_98 = arith.constant 0 : i32
        %dma_wait3A_99 = tpu.memref_slice %arg6[%add3A_92, %dma_wait3A_98] : memref<10240x128xf32, #tpu.memory_space<vmem_shared>> -> memref<128x128xf32, #tpu.memory_space<vmem_shared>>
        tpu.wait_dma2 semaphore(%run_scoped3A_93 : memref<!tpu.dma_semaphore, #tpu.memory_space<semaphore_mem>>) src(%arg7 : memref<128x128xf32, #tpu.memory_space<vmem>>) dst(%dma_wait3A_99 : memref<128x128xf32, #tpu.memory_space<vmem_shared>>)
        tpu.yield
      }) : () -> ()
    }
    %scan3A_52 = arith.constant 5 : i32
    %barrier3A_53 = arith.constant 0 : index
    tpu.barrier barrier_id(%barrier3A_53)
    %scan3A_54 = arith.constant 0 : i32
    %scan3A_55 = arith.constant 0 : i32
    %scan3A_56 = arith.constant 125 : i32
    %scan3A_57 = arith.addi %scan3A_55, %scan3A_56 : i32
    %scan3A_58 = arith.constant 1 : i32
    scf.for %scan3A_87 = %scan3A_55 to %scan3A_57 step %scan3A_58  : i32 {
      %mul3A_88 = arith.constant 80 : i32
      %mul3A_89 = arith.muli %scan3A_87, %mul3A_88 : i32
      %add3A_90 = arith.addi %mul3A_2, %mul3A_89 : i32
      "tpu.region"() ({
        %run_scoped3A_143 = tpu.sem_alloc : memref<!tpu.dma_semaphore, #tpu.memory_space<semaphore_mem>>
        %dma_start3A_144 = tpu.memref_slice %arg3[%add3A_90] : memref<320000xi32, #tpu.memory_space<hbm>> -> memref<80xi32, #tpu.memory_space<hbm>>
        %dma_start3A_145 = tpu.memref_slice %arg3[%add3A_90] : memref<320000xi32, #tpu.memory_space<hbm>> -> memref<80xi32, #tpu.memory_space<hbm>>
        tpu.enqueue_dma source(%dma_start3A_145 : memref<80xi32, #tpu.memory_space<hbm>>) target(%arg8 : memref<80xi32, #tpu.memory_space<vmem>>) target_semaphore(%run_scoped3A_143 : memref<!tpu.dma_semaphore, #tpu.memory_space<semaphore_mem>>)
        %dma_wait3A_146 = tpu.memref_slice %arg3[%add3A_90] : memref<320000xi32, #tpu.memory_space<hbm>> -> memref<80xi32, #tpu.memory_space<hbm>>
        %dma_wait3A_147 = tpu.memref_slice %arg3[%add3A_90] : memref<320000xi32, #tpu.memory_space<hbm>> -> memref<80xi32, #tpu.memory_space<hbm>>
        tpu.wait_dma2 semaphore(%run_scoped3A_143 : memref<!tpu.dma_semaphore, #tpu.memory_space<semaphore_mem>>) src(%dma_wait3A_147 : memref<80xi32, #tpu.memory_space<hbm>>) dst(%arg8 : memref<80xi32, #tpu.memory_space<vmem>>)
        tpu.yield
      }) : () -> ()
      "tpu.region"() ({
        %run_scoped3A_143 = tpu.sem_alloc : memref<!tpu.dma_semaphore, #tpu.memory_space<semaphore_mem>>
        %dma_start3A_144 = tpu.memref_slice %arg4[%add3A_90] : memref<320000xi32, #tpu.memory_space<hbm>> -> memref<80xi32, #tpu.memory_space<hbm>>
        %dma_start3A_145 = tpu.memref_slice %arg4[%add3A_90] : memref<320000xi32, #tpu.memory_space<hbm>> -> memref<80xi32, #tpu.memory_space<hbm>>
        tpu.enqueue_dma source(%dma_start3A_145 : memref<80xi32, #tpu.memory_space<hbm>>) target(%arg9 : memref<80xi32, #tpu.memory_space<vmem>>) target_semaphore(%run_scoped3A_143 : memref<!tpu.dma_semaphore, #tpu.memory_space<semaphore_mem>>)
        %dma_wait3A_146 = tpu.memref_slice %arg4[%add3A_90] : memref<320000xi32, #tpu.memory_space<hbm>> -> memref<80xi32, #tpu.memory_space<hbm>>
        %dma_wait3A_147 = tpu.memref_slice %arg4[%add3A_90] : memref<320000xi32, #tpu.memory_space<hbm>> -> memref<80xi32, #tpu.memory_space<hbm>>
        tpu.wait_dma2 semaphore(%run_scoped3A_143 : memref<!tpu.dma_semaphore, #tpu.memory_space<semaphore_mem>>) src(%dma_wait3A_147 : memref<80xi32, #tpu.memory_space<hbm>>) dst(%arg9 : memref<80xi32, #tpu.memory_space<vmem>>)
        tpu.yield
      }) : () -> ()
      %get3A = arith.constant 0 : index
      %get3A_91 = tpu.vector_load %arg8[%get3A] {strides = array<i32>} : memref<80xi32, #tpu.memory_space<vmem>>, vector<16xi32>,
      %get3A_92 = vector.shape_cast %get3A_91 : vector<16xi32> to vector<16xi32>
      %add3A_93 = arith.constant 20000 : i32
      %add3A_94 = vector.broadcast %add3A_93 : i32 to vector<16xi32>
      %add3A_95 = arith.addi %get3A_92, %add3A_94 : vector<16xi32>
      %swap3A = arith.constant 0 : index
      %swap3A_96 = tpu.vector_load %arg8[%swap3A] {strides = array<i32>} : memref<80xi32, #tpu.memory_space<vmem>>, vector<16xi32>,
      %swap3A_97 = vector.shape_cast %swap3A_96 : vector<16xi32> to vector<16xi32>
      %swap3A_98 = vector.shape_cast %add3A_95 : vector<16xi32> to vector<16xi32>
      tpu.vector_store %arg8[%swap3A], %swap3A_98 {strides = array<i32>} : memref<80xi32, #tpu.memory_space<vmem>>, vector<16xi32>,
      %get3A_99 = arith.constant 16 : index
      %get3A_100 = tpu.vector_load %arg8[%get3A_99] {strides = array<i32>} : memref<80xi32, #tpu.memory_space<vmem>>, vector<16xi32>,
      %get3A_101 = vector.shape_cast %get3A_100 : vector<16xi32> to vector<16xi32>
      %add3A_102 = arith.constant 20000 : i32
      %add3A_103 = vector.broadcast %add3A_102 : i32 to vector<16xi32>
      %add3A_104 = arith.addi %get3A_101, %add3A_103 : vector<16xi32>
      %swap3A_105 = arith.constant 16 : index
      %swap3A_106 = tpu.vector_load %arg8[%swap3A_105] {strides = array<i32>} : memref<80xi32, #tpu.memory_space<vmem>>, vector<16xi32>,
      %swap3A_107 = vector.shape_cast %swap3A_106 : vector<16xi32> to vector<16xi32>
      %swap3A_108 = vector.shape_cast %add3A_104 : vector<16xi32> to vector<16xi32>
      tpu.vector_store %arg8[%swap3A_105], %swap3A_108 {strides = array<i32>} : memref<80xi32, #tpu.memory_space<vmem>>, vector<16xi32>,
      %get3A_109 = arith.constant 32 : index
      %get3A_110 = tpu.vector_load %arg8[%get3A_109] {strides = array<i32>} : memref<80xi32, #tpu.memory_space<vmem>>, vector<16xi32>,
      %get3A_111 = vector.shape_cast %get3A_110 : vector<16xi32> to vector<16xi32>
      %add3A_112 = arith.constant 20000 : i32
      %add3A_113 = vector.broadcast %add3A_112 : i32 to vector<16xi32>
      %add3A_114 = arith.addi %get3A_111, %add3A_113 : vector<16xi32>
      %swap3A_115 = arith.constant 32 : index
      %swap3A_116 = tpu.vector_load %arg8[%swap3A_115] {strides = array<i32>} : memref<80xi32, #tpu.memory_space<vmem>>, vector<16xi32>,
      %swap3A_117 = vector.shape_cast %swap3A_116 : vector<16xi32> to vector<16xi32>
      %swap3A_118 = vector.shape_cast %add3A_114 : vector<16xi32> to vector<16xi32>
      tpu.vector_store %arg8[%swap3A_115], %swap3A_118 {strides = array<i32>} : memref<80xi32, #tpu.memory_space<vmem>>, vector<16xi32>,
      %get3A_119 = arith.constant 48 : index
      %get3A_120 = tpu.vector_load %arg8[%get3A_119] {strides = array<i32>} : memref<80xi32, #tpu.memory_space<vmem>>, vector<16xi32>,
      %get3A_121 = vector.shape_cast %get3A_120 : vector<16xi32> to vector<16xi32>
      %add3A_122 = arith.constant 20000 : i32
      %add3A_123 = vector.broadcast %add3A_122 : i32 to vector<16xi32>
      %add3A_124 = arith.addi %get3A_121, %add3A_123 : vector<16xi32>
      %swap3A_125 = arith.constant 48 : index
      %swap3A_126 = tpu.vector_load %arg8[%swap3A_125] {strides = array<i32>} : memref<80xi32, #tpu.memory_space<vmem>>, vector<16xi32>,
      %swap3A_127 = vector.shape_cast %swap3A_126 : vector<16xi32> to vector<16xi32>
      %swap3A_128 = vector.shape_cast %add3A_124 : vector<16xi32> to vector<16xi32>
      tpu.vector_store %arg8[%swap3A_125], %swap3A_128 {strides = array<i32>} : memref<80xi32, #tpu.memory_space<vmem>>, vector<16xi32>,
      %get3A_129 = arith.constant 64 : index
      %get3A_130 = tpu.vector_load %arg8[%get3A_129] {strides = array<i32>} : memref<80xi32, #tpu.memory_space<vmem>>, vector<16xi32>,
      %get3A_131 = vector.shape_cast %get3A_130 : vector<16xi32> to vector<16xi32>
      %add3A_132 = arith.constant 20000 : i32
      %add3A_133 = vector.broadcast %add3A_132 : i32 to vector<16xi32>
      %add3A_134 = arith.addi %get3A_131, %add3A_133 : vector<16xi32>
      %swap3A_135 = arith.constant 64 : index
      %swap3A_136 = tpu.vector_load %arg8[%swap3A_135] {strides = array<i32>} : memref<80xi32, #tpu.memory_space<vmem>>, vector<16xi32>,
      %swap3A_137 = vector.shape_cast %swap3A_136 : vector<16xi32> to vector<16xi32>
      %swap3A_138 = vector.shape_cast %add3A_134 : vector<16xi32> to vector<16xi32>
      tpu.vector_store %arg8[%swap3A_135], %swap3A_138 {strides = array<i32>} : memref<80xi32, #tpu.memory_space<vmem>>, vector<16xi32>,
      %dma_start3A = arith.constant 0 : i32
      %dma_start3A_139 = arith.constant 0 : i32
      %dma_start3A_140 = tpu.memref_slice %arg2[%dma_start3A, %dma_start3A_139] : memref<40000x128xf32, #tpu.memory_space<hbm>> -> memref<40000x128xf32, #tpu.memory_space<hbm>>
      tpu.enqueue_indirect_dma source(%dma_start3A_140 : memref<40000x128xf32, #tpu.memory_space<hbm>>) target(%arg10 : memref<80x128xf32, #tpu.memory_space<vmem>>) offsets(%arg8 : memref<80xi32, #tpu.memory_space<vmem>>) semaphore(%arg11 : memref<!tpu.dma_semaphore, #tpu.memory_space<semaphore_mem>>)
      %dma_wait3A = arith.constant 0 : i32
      %dma_wait3A_141 = arith.constant 0 : i32
      %dma_wait3A_142 = tpu.memref_slice %arg2[%dma_wait3A, %dma_wait3A_141] : memref<40000x128xf32, #tpu.memory_space<hbm>> -> memref<40000x128xf32, #tpu.memory_space<hbm>>
      tpu.wait_indirect_dma semaphore(%arg11 : memref<!tpu.dma_semaphore, #tpu.memory_space<semaphore_mem>>) src(%dma_wait3A_142 : memref<40000x128xf32, #tpu.memory_space<hbm>>) dst(%arg10 : memref<80x128xf32, #tpu.memory_space<vmem>>)
      "tpu.region"() ({
        %run_scoped3A_143 = tpu.sem_alloc : memref<!tpu.dma_semaphore, #tpu.memory_space<semaphore_mem>>
        %dma_start3A_144 = arith.constant 0 : i32
        %dma_start3A_145 = arith.constant 0 : i32
        %dma_start3A_146 = tpu.memref_slice %arg6[%dma_start3A_144, %dma_start3A_145] : memref<10240x128xf32, #tpu.memory_space<vmem_shared>> -> memref<10240x128xf32, #tpu.memory_space<vmem_shared>>
        tpu.enqueue_indirect_dma source(%arg10 : memref<80x128xf32, #tpu.memory_space<vmem>>) target(%dma_start3A_146 : memref<10240x128xf32, #tpu.memory_space<vmem_shared>>) offsets(%arg9 : memref<80xi32, #tpu.memory_space<vmem>>) semaphore(%run_scoped3A_143 : memref<!tpu.dma_semaphore, #tpu.memory_space<semaphore_mem>>) {add = true}
        %dma_wait3A_147 = arith.constant 0 : i32
        %dma_wait3A_148 = arith.constant 0 : i32
        %dma_wait3A_149 = tpu.memref_slice %arg6[%dma_wait3A_147, %dma_wait3A_148] : memref<10240x128xf32, #tpu.memory_space<vmem_shared>> -> memref<10240x128xf32, #tpu.memory_space<vmem_shared>>
        tpu.wait_indirect_dma semaphore(%run_scoped3A_143 : memref<!tpu.dma_semaphore, #tpu.memory_space<semaphore_mem>>) src(%arg10 : memref<80x128xf32, #tpu.memory_space<vmem>>) dst(%dma_wait3A_149 : memref<10240x128xf32, #tpu.memory_space<vmem_shared>>)
        tpu.yield
      }) : () -> ()
    }
    %scan3A_59 = arith.constant 125 : i32
    %barrier3A_60 = arith.constant 0 : index
    tpu.barrier barrier_id(%barrier3A_60)
    %mul3A_61 = arith.constant 640 : i32
    %mul3A_62 = arith.muli %arg1, %mul3A_61 : i32
    %mul3A_63 = arith.constant 640 : i32
    %mul3A_64 = arith.muli %arg1, %mul3A_63 : i32
    %run_scoped3A_65 = arith.constant 2 : i32
    "tpu.region"() ({
      %run_scoped3A_87 = tpu.sem_alloc : memref<!tpu.dma_semaphore, #tpu.memory_space<semaphore_mem>>
      %dma_start3A = arith.constant 0 : i32
      %dma_start3A_88 = tpu.memref_slice %arg5[%arg0, %run_scoped3A_65, %mul3A_64, %dma_start3A] : memref<2x4x10240x128xf32, #tpu.memory_space<hbm>> -> memref<1x1x640x128xf32, #tpu.memory_space<hbm>>
      %dma_start3A_89 = tpu.memref_squeeze %dma_start3A_88 : memref<1x1x640x128xf32, #tpu.memory_space<hbm>> -> memref<640x128xf32, #tpu.memory_space<hbm>>
      %dma_start3A_90 = arith.constant 0 : i32
      %dma_start3A_91 = tpu.memref_slice %arg6[%mul3A_62, %dma_start3A_90] : memref<10240x128xf32, #tpu.memory_space<vmem_shared>> -> memref<640x128xf32, #tpu.memory_space<vmem_shared>>
      tpu.enqueue_dma source(%dma_start3A_91 : memref<640x128xf32, #tpu.memory_space<vmem_shared>>) target(%dma_start3A_89 : memref<640x128xf32, #tpu.memory_space<hbm>>) target_semaphore(%run_scoped3A_87 : memref<!tpu.dma_semaphore, #tpu.memory_space<semaphore_mem>>)
      %dma_wait3A = arith.constant 0 : i32
      %dma_wait3A_92 = tpu.memref_slice %arg5[%arg0, %run_scoped3A_65, %mul3A_64, %dma_wait3A] : memref<2x4x10240x128xf32, #tpu.memory_space<hbm>> -> memref<1x1x640x128xf32, #tpu.memory_space<hbm>>
      %dma_wait3A_93 = tpu.memref_squeeze %dma_wait3A_92 : memref<1x1x640x128xf32, #tpu.memory_space<hbm>> -> memref<640x128xf32, #tpu.memory_space<hbm>>
      %dma_wait3A_94 = arith.constant 0 : i32
      %dma_wait3A_95 = tpu.memref_slice %arg6[%mul3A_62, %dma_wait3A_94] : memref<10240x128xf32, #tpu.memory_space<vmem_shared>> -> memref<640x128xf32, #tpu.memory_space<vmem_shared>>
      tpu.wait_dma2 semaphore(%run_scoped3A_87 : memref<!tpu.dma_semaphore, #tpu.memory_space<semaphore_mem>>) src(%dma_wait3A_95 : memref<640x128xf32, #tpu.memory_space<vmem_shared>>) dst(%dma_wait3A_93 : memref<640x128xf32, #tpu.memory_space<hbm>>)
      tpu.yield
    }) : () -> ()
    %barrier3A_66 = arith.constant 0 : index
    tpu.barrier barrier_id(%barrier3A_66)
    %scan3A_67 = arith.constant 0 : i32
    %scan3A_68 = arith.constant 0 : i32
    %scan3A_69 = arith.constant 5 : i32
    %scan3A_70 = arith.addi %scan3A_68, %scan3A_69 : i32
    %scan3A_71 = arith.constant 1 : i32
    scf.for %scan3A_87 = %scan3A_68 to %scan3A_70 step %scan3A_71  : i32 {
      %mul3A_88 = arith.constant 640 : i32
      %mul3A_89 = arith.muli %arg1, %mul3A_88 : i32
      %mul3A_90 = arith.constant 128 : i32
      %mul3A_91 = arith.muli %scan3A_87, %mul3A_90 : i32
      %add3A_92 = arith.addi %mul3A_89, %mul3A_91 : i32
      "tpu.region"() ({
        %run_scoped3A_93 = tpu.sem_alloc : memref<!tpu.dma_semaphore, #tpu.memory_space<semaphore_mem>>
        %dma_start3A = arith.constant 0 : i32
        %dma_start3A_94 = tpu.memref_slice %arg6[%add3A_92, %dma_start3A] : memref<10240x128xf32, #tpu.memory_space<vmem_shared>> -> memref<128x128xf32, #tpu.memory_space<vmem_shared>>
        %dma_start3A_95 = arith.constant 0 : i32
        %dma_start3A_96 = tpu.memref_slice %arg6[%add3A_92, %dma_start3A_95] : memref<10240x128xf32, #tpu.memory_space<vmem_shared>> -> memref<128x128xf32, #tpu.memory_space<vmem_shared>>
        tpu.enqueue_dma source(%arg7 : memref<128x128xf32, #tpu.memory_space<vmem>>) target(%dma_start3A_96 : memref<128x128xf32, #tpu.memory_space<vmem_shared>>) target_semaphore(%run_scoped3A_93 : memref<!tpu.dma_semaphore, #tpu.memory_space<semaphore_mem>>)
        %dma_wait3A = arith.constant 0 : i32
        %dma_wait3A_97 = tpu.memref_slice %arg6[%add3A_92, %dma_wait3A] : memref<10240x128xf32, #tpu.memory_space<vmem_shared>> -> memref<128x128xf32, #tpu.memory_space<vmem_shared>>
        %dma_wait3A_98 = arith.constant 0 : i32
        %dma_wait3A_99 = tpu.memref_slice %arg6[%add3A_92, %dma_wait3A_98] : memref<10240x128xf32, #tpu.memory_space<vmem_shared>> -> memref<128x128xf32, #tpu.memory_space<vmem_shared>>
        tpu.wait_dma2 semaphore(%run_scoped3A_93 : memref<!tpu.dma_semaphore, #tpu.memory_space<semaphore_mem>>) src(%arg7 : memref<128x128xf32, #tpu.memory_space<vmem>>) dst(%dma_wait3A_99 : memref<128x128xf32, #tpu.memory_space<vmem_shared>>)
        tpu.yield
      }) : () -> ()
    }
    %scan3A_72 = arith.constant 5 : i32
    %barrier3A_73 = arith.constant 0 : index
    tpu.barrier barrier_id(%barrier3A_73)
    %scan3A_74 = arith.constant 0 : i32
    %scan3A_75 = arith.constant 0 : i32
    %scan3A_76 = arith.constant 125 : i32
    %scan3A_77 = arith.addi %scan3A_75, %scan3A_76 : i32
    %scan3A_78 = arith.constant 1 : i32
    scf.for %scan3A_87 = %scan3A_75 to %scan3A_77 step %scan3A_78  : i32 {
      %mul3A_88 = arith.constant 80 : i32
      %mul3A_89 = arith.muli %scan3A_87, %mul3A_88 : i32
      %add3A_90 = arith.addi %mul3A_2, %mul3A_89 : i32
      "tpu.region"() ({
        %run_scoped3A_143 = tpu.sem_alloc : memref<!tpu.dma_semaphore, #tpu.memory_space<semaphore_mem>>
        %dma_start3A_144 = tpu.memref_slice %arg3[%add3A_90] : memref<320000xi32, #tpu.memory_space<hbm>> -> memref<80xi32, #tpu.memory_space<hbm>>
        %dma_start3A_145 = tpu.memref_slice %arg3[%add3A_90] : memref<320000xi32, #tpu.memory_space<hbm>> -> memref<80xi32, #tpu.memory_space<hbm>>
        tpu.enqueue_dma source(%dma_start3A_145 : memref<80xi32, #tpu.memory_space<hbm>>) target(%arg8 : memref<80xi32, #tpu.memory_space<vmem>>) target_semaphore(%run_scoped3A_143 : memref<!tpu.dma_semaphore, #tpu.memory_space<semaphore_mem>>)
        %dma_wait3A_146 = tpu.memref_slice %arg3[%add3A_90] : memref<320000xi32, #tpu.memory_space<hbm>> -> memref<80xi32, #tpu.memory_space<hbm>>
        %dma_wait3A_147 = tpu.memref_slice %arg3[%add3A_90] : memref<320000xi32, #tpu.memory_space<hbm>> -> memref<80xi32, #tpu.memory_space<hbm>>
        tpu.wait_dma2 semaphore(%run_scoped3A_143 : memref<!tpu.dma_semaphore, #tpu.memory_space<semaphore_mem>>) src(%dma_wait3A_147 : memref<80xi32, #tpu.memory_space<hbm>>) dst(%arg8 : memref<80xi32, #tpu.memory_space<vmem>>)
        tpu.yield
      }) : () -> ()
      "tpu.region"() ({
        %run_scoped3A_143 = tpu.sem_alloc : memref<!tpu.dma_semaphore, #tpu.memory_space<semaphore_mem>>
        %dma_start3A_144 = tpu.memref_slice %arg4[%add3A_90] : memref<320000xi32, #tpu.memory_space<hbm>> -> memref<80xi32, #tpu.memory_space<hbm>>
        %dma_start3A_145 = tpu.memref_slice %arg4[%add3A_90] : memref<320000xi32, #tpu.memory_space<hbm>> -> memref<80xi32, #tpu.memory_space<hbm>>
        tpu.enqueue_dma source(%dma_start3A_145 : memref<80xi32, #tpu.memory_space<hbm>>) target(%arg9 : memref<80xi32, #tpu.memory_space<vmem>>) target_semaphore(%run_scoped3A_143 : memref<!tpu.dma_semaphore, #tpu.memory_space<semaphore_mem>>)
        %dma_wait3A_146 = tpu.memref_slice %arg4[%add3A_90] : memref<320000xi32, #tpu.memory_space<hbm>> -> memref<80xi32, #tpu.memory_space<hbm>>
        %dma_wait3A_147 = tpu.memref_slice %arg4[%add3A_90] : memref<320000xi32, #tpu.memory_space<hbm>> -> memref<80xi32, #tpu.memory_space<hbm>>
        tpu.wait_dma2 semaphore(%run_scoped3A_143 : memref<!tpu.dma_semaphore, #tpu.memory_space<semaphore_mem>>) src(%dma_wait3A_147 : memref<80xi32, #tpu.memory_space<hbm>>) dst(%arg9 : memref<80xi32, #tpu.memory_space<vmem>>)
        tpu.yield
      }) : () -> ()
      %get3A = arith.constant 0 : index
      %get3A_91 = tpu.vector_load %arg8[%get3A] {strides = array<i32>} : memref<80xi32, #tpu.memory_space<vmem>>, vector<16xi32>,
      %get3A_92 = vector.shape_cast %get3A_91 : vector<16xi32> to vector<16xi32>
      %add3A_93 = arith.constant 30000 : i32
      %add3A_94 = vector.broadcast %add3A_93 : i32 to vector<16xi32>
      %add3A_95 = arith.addi %get3A_92, %add3A_94 : vector<16xi32>
      %swap3A = arith.constant 0 : index
      %swap3A_96 = tpu.vector_load %arg8[%swap3A] {strides = array<i32>} : memref<80xi32, #tpu.memory_space<vmem>>, vector<16xi32>,
      %swap3A_97 = vector.shape_cast %swap3A_96 : vector<16xi32> to vector<16xi32>
      %swap3A_98 = vector.shape_cast %add3A_95 : vector<16xi32> to vector<16xi32>
      tpu.vector_store %arg8[%swap3A], %swap3A_98 {strides = array<i32>} : memref<80xi32, #tpu.memory_space<vmem>>, vector<16xi32>,
      %get3A_99 = arith.constant 16 : index
      %get3A_100 = tpu.vector_load %arg8[%get3A_99] {strides = array<i32>} : memref<80xi32, #tpu.memory_space<vmem>>, vector<16xi32>,
      %get3A_101 = vector.shape_cast %get3A_100 : vector<16xi32> to vector<16xi32>
      %add3A_102 = arith.constant 30000 : i32
      %add3A_103 = vector.broadcast %add3A_102 : i32 to vector<16xi32>
      %add3A_104 = arith.addi %get3A_101, %add3A_103 : vector<16xi32>
      %swap3A_105 = arith.constant 16 : index
      %swap3A_106 = tpu.vector_load %arg8[%swap3A_105] {strides = array<i32>} : memref<80xi32, #tpu.memory_space<vmem>>, vector<16xi32>,
      %swap3A_107 = vector.shape_cast %swap3A_106 : vector<16xi32> to vector<16xi32>
      %swap3A_108 = vector.shape_cast %add3A_104 : vector<16xi32> to vector<16xi32>
      tpu.vector_store %arg8[%swap3A_105], %swap3A_108 {strides = array<i32>} : memref<80xi32, #tpu.memory_space<vmem>>, vector<16xi32>,
      %get3A_109 = arith.constant 32 : index
      %get3A_110 = tpu.vector_load %arg8[%get3A_109] {strides = array<i32>} : memref<80xi32, #tpu.memory_space<vmem>>, vector<16xi32>,
      %get3A_111 = vector.shape_cast %get3A_110 : vector<16xi32> to vector<16xi32>
      %add3A_112 = arith.constant 30000 : i32
      %add3A_113 = vector.broadcast %add3A_112 : i32 to vector<16xi32>
      %add3A_114 = arith.addi %get3A_111, %add3A_113 : vector<16xi32>
      %swap3A_115 = arith.constant 32 : index
      %swap3A_116 = tpu.vector_load %arg8[%swap3A_115] {strides = array<i32>} : memref<80xi32, #tpu.memory_space<vmem>>, vector<16xi32>,
      %swap3A_117 = vector.shape_cast %swap3A_116 : vector<16xi32> to vector<16xi32>
      %swap3A_118 = vector.shape_cast %add3A_114 : vector<16xi32> to vector<16xi32>
      tpu.vector_store %arg8[%swap3A_115], %swap3A_118 {strides = array<i32>} : memref<80xi32, #tpu.memory_space<vmem>>, vector<16xi32>,
      %get3A_119 = arith.constant 48 : index
      %get3A_120 = tpu.vector_load %arg8[%get3A_119] {strides = array<i32>} : memref<80xi32, #tpu.memory_space<vmem>>, vector<16xi32>,
      %get3A_121 = vector.shape_cast %get3A_120 : vector<16xi32> to vector<16xi32>
      %add3A_122 = arith.constant 30000 : i32
      %add3A_123 = vector.broadcast %add3A_122 : i32 to vector<16xi32>
      %add3A_124 = arith.addi %get3A_121, %add3A_123 : vector<16xi32>
      %swap3A_125 = arith.constant 48 : index
      %swap3A_126 = tpu.vector_load %arg8[%swap3A_125] {strides = array<i32>} : memref<80xi32, #tpu.memory_space<vmem>>, vector<16xi32>,
      %swap3A_127 = vector.shape_cast %swap3A_126 : vector<16xi32> to vector<16xi32>
      %swap3A_128 = vector.shape_cast %add3A_124 : vector<16xi32> to vector<16xi32>
      tpu.vector_store %arg8[%swap3A_125], %swap3A_128 {strides = array<i32>} : memref<80xi32, #tpu.memory_space<vmem>>, vector<16xi32>,
      %get3A_129 = arith.constant 64 : index
      %get3A_130 = tpu.vector_load %arg8[%get3A_129] {strides = array<i32>} : memref<80xi32, #tpu.memory_space<vmem>>, vector<16xi32>,
      %get3A_131 = vector.shape_cast %get3A_130 : vector<16xi32> to vector<16xi32>
      %add3A_132 = arith.constant 30000 : i32
      %add3A_133 = vector.broadcast %add3A_132 : i32 to vector<16xi32>
      %add3A_134 = arith.addi %get3A_131, %add3A_133 : vector<16xi32>
      %swap3A_135 = arith.constant 64 : index
      %swap3A_136 = tpu.vector_load %arg8[%swap3A_135] {strides = array<i32>} : memref<80xi32, #tpu.memory_space<vmem>>, vector<16xi32>,
      %swap3A_137 = vector.shape_cast %swap3A_136 : vector<16xi32> to vector<16xi32>
      %swap3A_138 = vector.shape_cast %add3A_134 : vector<16xi32> to vector<16xi32>
      tpu.vector_store %arg8[%swap3A_135], %swap3A_138 {strides = array<i32>} : memref<80xi32, #tpu.memory_space<vmem>>, vector<16xi32>,
      %dma_start3A = arith.constant 0 : i32
      %dma_start3A_139 = arith.constant 0 : i32
      %dma_start3A_140 = tpu.memref_slice %arg2[%dma_start3A, %dma_start3A_139] : memref<40000x128xf32, #tpu.memory_space<hbm>> -> memref<40000x128xf32, #tpu.memory_space<hbm>>
      tpu.enqueue_indirect_dma source(%dma_start3A_140 : memref<40000x128xf32, #tpu.memory_space<hbm>>) target(%arg10 : memref<80x128xf32, #tpu.memory_space<vmem>>) offsets(%arg8 : memref<80xi32, #tpu.memory_space<vmem>>) semaphore(%arg11 : memref<!tpu.dma_semaphore, #tpu.memory_space<semaphore_mem>>)
      %dma_wait3A = arith.constant 0 : i32
      %dma_wait3A_141 = arith.constant 0 : i32
      %dma_wait3A_142 = tpu.memref_slice %arg2[%dma_wait3A, %dma_wait3A_141] : memref<40000x128xf32, #tpu.memory_space<hbm>> -> memref<40000x128xf32, #tpu.memory_space<hbm>>
      tpu.wait_indirect_dma semaphore(%arg11 : memref<!tpu.dma_semaphore, #tpu.memory_space<semaphore_mem>>) src(%dma_wait3A_142 : memref<40000x128xf32, #tpu.memory_space<hbm>>) dst(%arg10 : memref<80x128xf32, #tpu.memory_space<vmem>>)
      "tpu.region"() ({
        %run_scoped3A_143 = tpu.sem_alloc : memref<!tpu.dma_semaphore, #tpu.memory_space<semaphore_mem>>
        %dma_start3A_144 = arith.constant 0 : i32
        %dma_start3A_145 = arith.constant 0 : i32
        %dma_start3A_146 = tpu.memref_slice %arg6[%dma_start3A_144, %dma_start3A_145] : memref<10240x128xf32, #tpu.memory_space<vmem_shared>> -> memref<10240x128xf32, #tpu.memory_space<vmem_shared>>
        tpu.enqueue_indirect_dma source(%arg10 : memref<80x128xf32, #tpu.memory_space<vmem>>) target(%dma_start3A_146 : memref<10240x128xf32, #tpu.memory_space<vmem_shared>>) offsets(%arg9 : memref<80xi32, #tpu.memory_space<vmem>>) semaphore(%run_scoped3A_143 : memref<!tpu.dma_semaphore, #tpu.memory_space<semaphore_mem>>) {add = true}
        %dma_wait3A_147 = arith.constant 0 : i32
        %dma_wait3A_148 = arith.constant 0 : i32
        %dma_wait3A_149 = tpu.memref_slice %arg6[%dma_wait3A_147, %dma_wait3A_148] : memref<10240x128xf32, #tpu.memory_space<vmem_shared>> -> memref<10240x128xf32, #tpu.memory_space<vmem_shared>>
        tpu.wait_indirect_dma semaphore(%run_scoped3A_143 : memref<!tpu.dma_semaphore, #tpu.memory_space<semaphore_mem>>) src(%arg10 : memref<80x128xf32, #tpu.memory_space<vmem>>) dst(%dma_wait3A_149 : memref<10240x128xf32, #tpu.memory_space<vmem_shared>>)
        tpu.yield
      }) : () -> ()
    }
    %scan3A_79 = arith.constant 125 : i32
    %barrier3A_80 = arith.constant 0 : index
    tpu.barrier barrier_id(%barrier3A_80)
    %mul3A_81 = arith.constant 640 : i32
    %mul3A_82 = arith.muli %arg1, %mul3A_81 : i32
    %mul3A_83 = arith.constant 640 : i32
    %mul3A_84 = arith.muli %arg1, %mul3A_83 : i32
    %run_scoped3A_85 = arith.constant 3 : i32
    "tpu.region"() ({
      %run_scoped3A_87 = tpu.sem_alloc : memref<!tpu.dma_semaphore, #tpu.memory_space<semaphore_mem>>
      %dma_start3A = arith.constant 0 : i32
      %dma_start3A_88 = tpu.memref_slice %arg5[%arg0, %run_scoped3A_85, %mul3A_84, %dma_start3A] : memref<2x4x10240x128xf32, #tpu.memory_space<hbm>> -> memref<1x1x640x128xf32, #tpu.memory_space<hbm>>
      %dma_start3A_89 = tpu.memref_squeeze %dma_start3A_88 : memref<1x1x640x128xf32, #tpu.memory_space<hbm>> -> memref<640x128xf32, #tpu.memory_space<hbm>>
      %dma_start3A_90 = arith.constant 0 : i32
      %dma_start3A_91 = tpu.memref_slice %arg6[%mul3A_82, %dma_start3A_90] : memref<10240x128xf32, #tpu.memory_space<vmem_shared>> -> memref<640x128xf32, #tpu.memory_space<vmem_shared>>
      tpu.enqueue_dma source(%dma_start3A_91 : memref<640x128xf32, #tpu.memory_space<vmem_shared>>) target(%dma_start3A_89 : memref<640x128xf32, #tpu.memory_space<hbm>>) target_semaphore(%run_scoped3A_87 : memref<!tpu.dma_semaphore, #tpu.memory_space<semaphore_mem>>)
      %dma_wait3A = arith.constant 0 : i32
      %dma_wait3A_92 = tpu.memref_slice %arg5[%arg0, %run_scoped3A_85, %mul3A_84, %dma_wait3A] : memref<2x4x10240x128xf32, #tpu.memory_space<hbm>> -> memref<1x1x640x128xf32, #tpu.memory_space<hbm>>
      %dma_wait3A_93 = tpu.memref_squeeze %dma_wait3A_92 : memref<1x1x640x128xf32, #tpu.memory_space<hbm>> -> memref<640x128xf32, #tpu.memory_space<hbm>>
      %dma_wait3A_94 = arith.constant 0 : i32
      %dma_wait3A_95 = tpu.memref_slice %arg6[%mul3A_82, %dma_wait3A_94] : memref<10240x128xf32, #tpu.memory_space<vmem_shared>> -> memref<640x128xf32, #tpu.memory_space<vmem_shared>>
      tpu.wait_dma2 semaphore(%run_scoped3A_87 : memref<!tpu.dma_semaphore, #tpu.memory_space<semaphore_mem>>) src(%dma_wait3A_95 : memref<640x128xf32, #tpu.memory_space<vmem_shared>>) dst(%dma_wait3A_93 : memref<640x128xf32, #tpu.memory_space<hbm>>)
      tpu.yield
    }) : () -> ()
    %barrier3A_86 = arith.constant 0 : index
    tpu.barrier barrier_id(%barrier3A_86)
    return
  }
}

module attributes {stable_mosaic.version = 14 : i64} {
  func.func @_mlp1_body(%arg0: i32, %arg1: memref<1x1xf32, #tpu.memory_space<smem>>, %arg2: memref<1000x128xf32, #tpu.memory_space<vmem>>, %arg3: memref<2x1000x128xf32, #tpu.memory_space<vmem>>, %arg4: memref<128x512xf32, #tpu.memory_space<vmem>>, %arg5: memref<1x512xf32, #tpu.memory_space<vmem>>, %arg6: memref<512x512xf32, #tpu.memory_space<vmem>>, %arg7: memref<1x512xf32, #tpu.memory_space<vmem>>, %arg8: memref<1x512xf32, #tpu.memory_space<vmem>>, %arg9: memref<1x512xf32, #tpu.memory_space<vmem>>, %arg10: memref<4x1000x128xf32, #tpu.memory_space<vmem>>) attributes {dimension_semantics = [#tpu.dimension_semantics<arbitrary>], iteration_bounds = array<i64: 10>, scalar_prefetch = 0 : i64, scratch_operands = 0 : i64, tpu.core_type = #tpu.core_type<tc>, window_params = [{transform_indices = @transform_0, window_bounds = array<i64: 1, 1>}, {transform_indices = @transform_1, window_bounds = array<i64: 1000, 128>}, {transform_indices = @transform_2, window_bounds = array<i64: 2, 1000, 128>}, {pipeline_mode = #tpu.pipeline_mode<synchronous>, transform_indices = @transform_3, window_bounds = array<i64: 128, 512>}, {pipeline_mode = #tpu.pipeline_mode<synchronous>, transform_indices = @transform_4, window_bounds = array<i64: 1, 512>}, {pipeline_mode = #tpu.pipeline_mode<synchronous>, transform_indices = @transform_5, window_bounds = array<i64: 512, 512>}, {pipeline_mode = #tpu.pipeline_mode<synchronous>, transform_indices = @transform_6, window_bounds = array<i64: 1, 512>}, {pipeline_mode = #tpu.pipeline_mode<synchronous>, transform_indices = @transform_7, window_bounds = array<i64: 1, 512>}, {pipeline_mode = #tpu.pipeline_mode<synchronous>, transform_indices = @transform_8, window_bounds = array<i64: 1, 512>}, {transform_indices = @transform_9, window_bounds = array<i64: 4, 1000, 128>}]} {
    %get3A = arith.constant 0 : index
    %get3A_0 = arith.constant 0 : index
    %get3A_1 = vector.load %arg2[%get3A, %get3A_0] : memref<1000x128xf32, #tpu.memory_space<vmem>>, vector<1000x128xf32>
    %get3A_2 = arith.constant 0 : index
    %get3A_3 = arith.constant 0 : index
    %get3A_4 = memref.load %arg1[%get3A_2, %get3A_3] : memref<1x1xf32, #tpu.memory_space<smem>>
    %add3A = arith.constant 1.000000e+00 : f32
    %add3A_5 = arith.addf %add3A, %get3A_4 : f32
    %mul3A = vector.broadcast %add3A_5 : f32 to vector<1000x128xf32>
    %mul3A_6 = arith.mulf %get3A_1, %mul3A : vector<1000x128xf32>
    %get3A_7 = arith.constant 0 : index
    %get3A_8 = arith.constant 0 : index
    %get3A_9 = arith.constant 0 : index
    %get3A_10 = vector.load %arg3[%get3A_7, %get3A_8, %get3A_9] : memref<2x1000x128xf32, #tpu.memory_space<vmem>>, vector<1x1000x128xf32>
    %get3A_11 = vector.shape_cast %get3A_10 : vector<1x1000x128xf32> to vector<1000x128xf32>
    %add3A_12 = arith.addf %mul3A_6, %get3A_11 : vector<1000x128xf32>
    %get3A_13 = arith.constant 1 : index
    %get3A_14 = arith.constant 0 : index
    %get3A_15 = arith.constant 0 : index
    %get3A_16 = vector.load %arg3[%get3A_13, %get3A_14, %get3A_15] : memref<2x1000x128xf32, #tpu.memory_space<vmem>>, vector<1x1000x128xf32>
    %get3A_17 = vector.shape_cast %get3A_16 : vector<1x1000x128xf32> to vector<1000x128xf32>
    %add3A_18 = arith.addf %add3A_12, %get3A_17 : vector<1000x128xf32>
    %get3A_19 = arith.constant 0 : index
    %get3A_20 = arith.constant 0 : index
    %get3A_21 = vector.load %arg4[%get3A_19, %get3A_20] : memref<128x512xf32, #tpu.memory_space<vmem>>, vector<128x512xf32>
    %dot_general3A = arith.constant dense<0.000000e+00> : vector<1000x512xf32>
    %dot_general3A_22 = tpu.matmul %add3A_18, %get3A_21, %dot_general3A {dimension_numbers = #tpu.dot_dimension_numbers<[1], [0], [0], [1], [0, 0, 1, 1], [], []>, transpose_lhs_hint = false} : vector<1000x128xf32>, vector<128x512xf32>, vector<1000x512xf32> -> vector<1000x512xf32>
    %get3A_23 = arith.constant 0 : index
    %get3A_24 = arith.constant 0 : index
    %get3A_25 = vector.load %arg5[%get3A_23, %get3A_24] : memref<1x512xf32, #tpu.memory_space<vmem>>, vector<1x512xf32>
    %add3A_26 = vector.broadcast %get3A_25 : vector<1x512xf32> to vector<1000x512xf32>
    %add3A_27 = arith.addf %dot_general3A_22, %add3A_26 : vector<1000x512xf32>
    %max3A = arith.constant 0.000000e+00 : f32
    %max3A_28 = vector.broadcast %max3A : f32 to vector<1000x512xf32>
    %max3A_29 = arith.maximumf %add3A_27, %max3A_28 : vector<1000x512xf32>
    %get3A_30 = arith.constant 0 : index
    %get3A_31 = arith.constant 0 : index
    %get3A_32 = vector.load %arg6[%get3A_30, %get3A_31] : memref<512x512xf32, #tpu.memory_space<vmem>>, vector<512x512xf32>
    %dot_general3A_33 = arith.constant dense<0.000000e+00> : vector<1000x512xf32>
    %dot_general3A_34 = tpu.matmul %max3A_29, %get3A_32, %dot_general3A_33 {dimension_numbers = #tpu.dot_dimension_numbers<[1], [0], [0], [1], [0, 0, 1, 1], [], []>, transpose_lhs_hint = false} : vector<1000x512xf32>, vector<512x512xf32>, vector<1000x512xf32> -> vector<1000x512xf32>
    %get3A_35 = arith.constant 0 : index
    %get3A_36 = arith.constant 0 : index
    %get3A_37 = vector.load %arg7[%get3A_35, %get3A_36] : memref<1x512xf32, #tpu.memory_space<vmem>>, vector<1x512xf32>
    %add3A_38 = vector.broadcast %get3A_37 : vector<1x512xf32> to vector<1000x512xf32>
    %add3A_39 = arith.addf %dot_general3A_34, %add3A_38 : vector<1000x512xf32>
    %max3A_40 = arith.constant 0.000000e+00 : f32
    %max3A_41 = vector.broadcast %max3A_40 : f32 to vector<1000x512xf32>
    %max3A_42 = arith.maximumf %add3A_39, %max3A_41 : vector<1000x512xf32>
    %get3A_43 = arith.constant 0 : index
    %get3A_44 = arith.constant 0 : index
    %get3A_45 = vector.load %arg8[%get3A_43, %get3A_44] : memref<1x512xf32, #tpu.memory_space<vmem>>, vector<1x512xf32>
    %mul3A_46 = arith.constant 0.999994993 : f32
    %mul3A_47 = vector.broadcast %mul3A_46 : f32 to vector<1x512xf32>
    %mul3A_48 = arith.mulf %get3A_45, %mul3A_47 : vector<1x512xf32>
    %mul3A_49 = vector.broadcast %mul3A_48 : vector<1x512xf32> to vector<1000x512xf32>
    %mul3A_50 = arith.mulf %max3A_42, %mul3A_49 : vector<1000x512xf32>
    %get3A_51 = arith.constant 0 : index
    %get3A_52 = arith.constant 0 : index
    %get3A_53 = vector.load %arg9[%get3A_51, %get3A_52] : memref<1x512xf32, #tpu.memory_space<vmem>>, vector<1x512xf32>
    %add3A_54 = vector.broadcast %get3A_53 : vector<1x512xf32> to vector<1000x512xf32>
    %add3A_55 = arith.addf %mul3A_50, %add3A_54 : vector<1000x512xf32>
    %slice3A = vector.extract_strided_slice %add3A_55 {offsets = [0, 0], sizes = [1000, 128], strides = [1, 1]} : vector<1000x512xf32> to vector<1000x128xf32>
    %swap3A = arith.constant 0 : index
    %swap3A_56 = arith.constant 0 : index
    %swap3A_57 = arith.constant 0 : index
    %swap3A_58 = vector.load %arg10[%swap3A, %swap3A_56, %swap3A_57] : memref<4x1000x128xf32, #tpu.memory_space<vmem>>, vector<1x1000x128xf32>
    %swap3A_59 = vector.shape_cast %swap3A_58 : vector<1x1000x128xf32> to vector<1000x128xf32>
    %swap3A_60 = vector.shape_cast %slice3A : vector<1000x128xf32> to vector<1x1000x128xf32>
    tpu.vector_store %arg10[%swap3A, %swap3A_56, %swap3A_57], %swap3A_60 {strides = array<i32>} : memref<4x1000x128xf32, #tpu.memory_space<vmem>>, vector<1x1000x128xf32>,
    %slice3A_61 = vector.extract_strided_slice %add3A_55 {offsets = [0, 128], sizes = [1000, 128], strides = [1, 1]} : vector<1000x512xf32> to vector<1000x128xf32>
    %swap3A_62 = arith.constant 1 : index
    %swap3A_63 = arith.constant 0 : index
    %swap3A_64 = arith.constant 0 : index
    %swap3A_65 = vector.load %arg10[%swap3A_62, %swap3A_63, %swap3A_64] : memref<4x1000x128xf32, #tpu.memory_space<vmem>>, vector<1x1000x128xf32>
    %swap3A_66 = vector.shape_cast %swap3A_65 : vector<1x1000x128xf32> to vector<1000x128xf32>
    %swap3A_67 = vector.shape_cast %slice3A_61 : vector<1000x128xf32> to vector<1x1000x128xf32>
    tpu.vector_store %arg10[%swap3A_62, %swap3A_63, %swap3A_64], %swap3A_67 {strides = array<i32>} : memref<4x1000x128xf32, #tpu.memory_space<vmem>>, vector<1x1000x128xf32>,
    %slice3A_68 = vector.extract_strided_slice %add3A_55 {offsets = [0, 256], sizes = [1000, 128], strides = [1, 1]} : vector<1000x512xf32> to vector<1000x128xf32>
    %swap3A_69 = arith.constant 2 : index
    %swap3A_70 = arith.constant 0 : index
    %swap3A_71 = arith.constant 0 : index
    %swap3A_72 = vector.load %arg10[%swap3A_69, %swap3A_70, %swap3A_71] : memref<4x1000x128xf32, #tpu.memory_space<vmem>>, vector<1x1000x128xf32>
    %swap3A_73 = vector.shape_cast %swap3A_72 : vector<1x1000x128xf32> to vector<1000x128xf32>
    %swap3A_74 = vector.shape_cast %slice3A_68 : vector<1000x128xf32> to vector<1x1000x128xf32>
    tpu.vector_store %arg10[%swap3A_69, %swap3A_70, %swap3A_71], %swap3A_74 {strides = array<i32>} : memref<4x1000x128xf32, #tpu.memory_space<vmem>>, vector<1x1000x128xf32>,
    %slice3A_75 = vector.extract_strided_slice %add3A_55 {offsets = [0, 384], sizes = [1000, 128], strides = [1, 1]} : vector<1000x512xf32> to vector<1000x128xf32>
    %swap3A_76 = arith.constant 3 : index
    %swap3A_77 = arith.constant 0 : index
    %swap3A_78 = arith.constant 0 : index
    %swap3A_79 = vector.load %arg10[%swap3A_76, %swap3A_77, %swap3A_78] : memref<4x1000x128xf32, #tpu.memory_space<vmem>>, vector<1x1000x128xf32>
    %swap3A_80 = vector.shape_cast %swap3A_79 : vector<1x1000x128xf32> to vector<1000x128xf32>
    %swap3A_81 = vector.shape_cast %slice3A_75 : vector<1000x128xf32> to vector<1x1000x128xf32>
    tpu.vector_store %arg10[%swap3A_76, %swap3A_77, %swap3A_78], %swap3A_81 {strides = array<i32>} : memref<4x1000x128xf32, #tpu.memory_space<vmem>>, vector<1x1000x128xf32>,
    return
  }
  func.func @transform_0(%arg0: i32) -> (i32, i32) {
    %c0_i32 = arith.constant 0 : i32
    %c0_i32_0 = arith.constant 0 : i32
    %c0_i32_1 = arith.constant 0 : i32
    return %c0_i32, %c0_i32_0 : i32, i32
  }
  func.func @transform_1(%arg0: i32) -> (i32, i32) {
    %c0_i32 = arith.constant 0 : i32
    %c0_i32_0 = arith.constant 0 : i32
    return %arg0, %c0_i32 : i32, i32
  }
  func.func @transform_2(%arg0: i32) -> (i32, i32, i32) {
    %c0_i32 = arith.constant 0 : i32
    %c0_i32_0 = arith.constant 0 : i32
    %c0_i32_1 = arith.constant 0 : i32
    return %c0_i32, %arg0, %c0_i32_0 : i32, i32, i32
  }
  func.func @transform_3(%arg0: i32) -> (i32, i32) {
    %c0_i32 = arith.constant 0 : i32
    %c0_i32_0 = arith.constant 0 : i32
    %c0_i32_1 = arith.constant 0 : i32
    return %c0_i32, %c0_i32_0 : i32, i32
  }
  func.func @transform_4(%arg0: i32) -> (i32, i32) {
    %c0_i32 = arith.constant 0 : i32
    %c0_i32_0 = arith.constant 0 : i32
    %c0_i32_1 = arith.constant 0 : i32
    return %c0_i32, %c0_i32_0 : i32, i32
  }
  func.func @transform_5(%arg0: i32) -> (i32, i32) {
    %c0_i32 = arith.constant 0 : i32
    %c0_i32_0 = arith.constant 0 : i32
    %c0_i32_1 = arith.constant 0 : i32
    return %c0_i32, %c0_i32_0 : i32, i32
  }
  func.func @transform_6(%arg0: i32) -> (i32, i32) {
    %c0_i32 = arith.constant 0 : i32
    %c0_i32_0 = arith.constant 0 : i32
    %c0_i32_1 = arith.constant 0 : i32
    return %c0_i32, %c0_i32_0 : i32, i32
  }
  func.func @transform_7(%arg0: i32) -> (i32, i32) {
    %c0_i32 = arith.constant 0 : i32
    %c0_i32_0 = arith.constant 0 : i32
    %c0_i32_1 = arith.constant 0 : i32
    return %c0_i32, %c0_i32_0 : i32, i32
  }
  func.func @transform_8(%arg0: i32) -> (i32, i32) {
    %c0_i32 = arith.constant 0 : i32
    %c0_i32_0 = arith.constant 0 : i32
    %c0_i32_1 = arith.constant 0 : i32
    return %c0_i32, %c0_i32_0 : i32, i32
  }
  func.func @transform_9(%arg0: i32) -> (i32, i32, i32) {
    %c0_i32 = arith.constant 0 : i32
    %c0_i32_0 = arith.constant 0 : i32
    %c0_i32_1 = arith.constant 0 : i32
    return %c0_i32, %arg0, %c0_i32_0 : i32, i32, i32
  }
}

module attributes {stable_mosaic.version = 14 : i64} {
  func.func @_mlp2_body(%arg0: i32, %arg1: memref<1x1xf32, #tpu.memory_space<smem>>, %arg2: memref<4x1000x128xf32, #tpu.memory_space<vmem>>, %arg3: memref<2x4x1000x128xf32, #tpu.memory_space<vmem>>, %arg4: memref<512x512xf32, #tpu.memory_space<vmem>>, %arg5: memref<1x512xf32, #tpu.memory_space<vmem>>, %arg6: memref<1x512xf32, #tpu.memory_space<vmem>>, %arg7: memref<1x512xf32, #tpu.memory_space<vmem>>, %arg8: memref<512x512xf32, #tpu.memory_space<vmem>>, %arg9: memref<1x512xf32, #tpu.memory_space<vmem>>, %arg10: memref<1000x512xf32, #tpu.memory_space<vmem>>) attributes {dimension_semantics = [#tpu.dimension_semantics<arbitrary>], iteration_bounds = array<i64: 10>, scalar_prefetch = 0 : i64, scratch_operands = 0 : i64, tpu.core_type = #tpu.core_type<tc>, window_params = [{transform_indices = @transform_0, window_bounds = array<i64: 1, 1>}, {transform_indices = @transform_1, window_bounds = array<i64: 4, 1000, 128>}, {transform_indices = @transform_2, window_bounds = array<i64: 2, 4, 1000, 128>}, {pipeline_mode = #tpu.pipeline_mode<synchronous>, transform_indices = @transform_3, window_bounds = array<i64: 512, 512>}, {pipeline_mode = #tpu.pipeline_mode<synchronous>, transform_indices = @transform_4, window_bounds = array<i64: 1, 512>}, {pipeline_mode = #tpu.pipeline_mode<synchronous>, transform_indices = @transform_5, window_bounds = array<i64: 1, 512>}, {pipeline_mode = #tpu.pipeline_mode<synchronous>, transform_indices = @transform_6, window_bounds = array<i64: 1, 512>}, {pipeline_mode = #tpu.pipeline_mode<synchronous>, transform_indices = @transform_7, window_bounds = array<i64: 512, 512>}, {pipeline_mode = #tpu.pipeline_mode<synchronous>, transform_indices = @transform_8, window_bounds = array<i64: 1, 512>}, {transform_indices = @transform_9, window_bounds = array<i64: 1000, 512>}]} {
    %get3A = arith.constant 0 : index
    %get3A_0 = arith.constant 0 : index
    %get3A_1 = arith.constant 0 : index
    %get3A_2 = vector.load %arg2[%get3A, %get3A_0, %get3A_1] : memref<4x1000x128xf32, #tpu.memory_space<vmem>>, vector<1x1000x128xf32>
    %get3A_3 = vector.shape_cast %get3A_2 : vector<1x1000x128xf32> to vector<1000x128xf32>
    %get3A_4 = arith.constant 0 : index
    %get3A_5 = arith.constant 0 : index
    %get3A_6 = memref.load %arg1[%get3A_4, %get3A_5] : memref<1x1xf32, #tpu.memory_space<smem>>
    %add3A = arith.constant 1.000000e+00 : f32
    %add3A_7 = arith.addf %add3A, %get3A_6 : f32
    %mul3A = vector.broadcast %add3A_7 : f32 to vector<1000x128xf32>
    %mul3A_8 = arith.mulf %get3A_3, %mul3A : vector<1000x128xf32>
    %get3A_9 = arith.constant 0 : index
    %get3A_10 = arith.constant 0 : index
    %get3A_11 = arith.constant 0 : index
    %get3A_12 = arith.constant 0 : index
    %get3A_13 = vector.load %arg3[%get3A_9, %get3A_10, %get3A_11, %get3A_12] : memref<2x4x1000x128xf32, #tpu.memory_space<vmem>>, vector<1x1x1000x128xf32>
    %get3A_14 = vector.shape_cast %get3A_13 : vector<1x1x1000x128xf32> to vector<1000x128xf32>
    %add3A_15 = arith.addf %mul3A_8, %get3A_14 : vector<1000x128xf32>
    %get3A_16 = arith.constant 1 : index
    %get3A_17 = arith.constant 0 : index
    %get3A_18 = arith.constant 0 : index
    %get3A_19 = arith.constant 0 : index
    %get3A_20 = vector.load %arg3[%get3A_16, %get3A_17, %get3A_18, %get3A_19] : memref<2x4x1000x128xf32, #tpu.memory_space<vmem>>, vector<1x1x1000x128xf32>
    %get3A_21 = vector.shape_cast %get3A_20 : vector<1x1x1000x128xf32> to vector<1000x128xf32>
    %add3A_22 = arith.addf %add3A_15, %get3A_21 : vector<1000x128xf32>
    %get3A_23 = arith.constant 0 : index
    %get3A_24 = arith.constant 0 : index
    %get3A_25 = vector.load %arg4[%get3A_23, %get3A_24] : memref<512x512xf32, #tpu.memory_space<vmem>>, vector<128x512xf32>
    %dot_general3A = arith.constant dense<0.000000e+00> : vector<1000x512xf32>
    %dot_general3A_26 = tpu.matmul %add3A_22, %get3A_25, %dot_general3A {dimension_numbers = #tpu.dot_dimension_numbers<[1], [0], [0], [1], [0, 0, 1, 1], [], []>, transpose_lhs_hint = false} : vector<1000x128xf32>, vector<128x512xf32>, vector<1000x512xf32> -> vector<1000x512xf32>
    %get3A_27 = arith.constant 1 : index
    %get3A_28 = arith.constant 0 : index
    %get3A_29 = arith.constant 0 : index
    %get3A_30 = vector.load %arg2[%get3A_27, %get3A_28, %get3A_29] : memref<4x1000x128xf32, #tpu.memory_space<vmem>>, vector<1x1000x128xf32>
    %get3A_31 = vector.shape_cast %get3A_30 : vector<1x1000x128xf32> to vector<1000x128xf32>
    %get3A_32 = arith.constant 0 : index
    %get3A_33 = arith.constant 0 : index
    %get3A_34 = memref.load %arg1[%get3A_32, %get3A_33] : memref<1x1xf32, #tpu.memory_space<smem>>
    %add3A_35 = arith.constant 1.000000e+00 : f32
    %add3A_36 = arith.addf %add3A_35, %get3A_34 : f32
    %mul3A_37 = vector.broadcast %add3A_36 : f32 to vector<1000x128xf32>
    %mul3A_38 = arith.mulf %get3A_31, %mul3A_37 : vector<1000x128xf32>
    %get3A_39 = arith.constant 0 : index
    %get3A_40 = arith.constant 1 : index
    %get3A_41 = arith.constant 0 : index
    %get3A_42 = arith.constant 0 : index
    %get3A_43 = vector.load %arg3[%get3A_39, %get3A_40, %get3A_41, %get3A_42] : memref<2x4x1000x128xf32, #tpu.memory_space<vmem>>, vector<1x1x1000x128xf32>
    %get3A_44 = vector.shape_cast %get3A_43 : vector<1x1x1000x128xf32> to vector<1000x128xf32>
    %add3A_45 = arith.addf %mul3A_38, %get3A_44 : vector<1000x128xf32>
    %get3A_46 = arith.constant 1 : index
    %get3A_47 = arith.constant 1 : index
    %get3A_48 = arith.constant 0 : index
    %get3A_49 = arith.constant 0 : index
    %get3A_50 = vector.load %arg3[%get3A_46, %get3A_47, %get3A_48, %get3A_49] : memref<2x4x1000x128xf32, #tpu.memory_space<vmem>>, vector<1x1x1000x128xf32>
    %get3A_51 = vector.shape_cast %get3A_50 : vector<1x1x1000x128xf32> to vector<1000x128xf32>
    %add3A_52 = arith.addf %add3A_45, %get3A_51 : vector<1000x128xf32>
    %get3A_53 = arith.constant 128 : index
    %get3A_54 = arith.constant 0 : index
    %get3A_55 = vector.load %arg4[%get3A_53, %get3A_54] : memref<512x512xf32, #tpu.memory_space<vmem>>, vector<128x512xf32>
    %dot_general3A_56 = arith.constant dense<0.000000e+00> : vector<1000x512xf32>
    %dot_general3A_57 = tpu.matmul %add3A_52, %get3A_55, %dot_general3A_56 {dimension_numbers = #tpu.dot_dimension_numbers<[1], [0], [0], [1], [0, 0, 1, 1], [], []>, transpose_lhs_hint = false} : vector<1000x128xf32>, vector<128x512xf32>, vector<1000x512xf32> -> vector<1000x512xf32>
    %add3A_58 = arith.addf %dot_general3A_26, %dot_general3A_57 : vector<1000x512xf32>
    %get3A_59 = arith.constant 2 : index
    %get3A_60 = arith.constant 0 : index
    %get3A_61 = arith.constant 0 : index
    %get3A_62 = vector.load %arg2[%get3A_59, %get3A_60, %get3A_61] : memref<4x1000x128xf32, #tpu.memory_space<vmem>>, vector<1x1000x128xf32>
    %get3A_63 = vector.shape_cast %get3A_62 : vector<1x1000x128xf32> to vector<1000x128xf32>
    %get3A_64 = arith.constant 0 : index
    %get3A_65 = arith.constant 0 : index
    %get3A_66 = memref.load %arg1[%get3A_64, %get3A_65] : memref<1x1xf32, #tpu.memory_space<smem>>
    %add3A_67 = arith.constant 1.000000e+00 : f32
    %add3A_68 = arith.addf %add3A_67, %get3A_66 : f32
    %mul3A_69 = vector.broadcast %add3A_68 : f32 to vector<1000x128xf32>
    %mul3A_70 = arith.mulf %get3A_63, %mul3A_69 : vector<1000x128xf32>
    %get3A_71 = arith.constant 0 : index
    %get3A_72 = arith.constant 2 : index
    %get3A_73 = arith.constant 0 : index
    %get3A_74 = arith.constant 0 : index
    %get3A_75 = vector.load %arg3[%get3A_71, %get3A_72, %get3A_73, %get3A_74] : memref<2x4x1000x128xf32, #tpu.memory_space<vmem>>, vector<1x1x1000x128xf32>
    %get3A_76 = vector.shape_cast %get3A_75 : vector<1x1x1000x128xf32> to vector<1000x128xf32>
    %add3A_77 = arith.addf %mul3A_70, %get3A_76 : vector<1000x128xf32>
    %get3A_78 = arith.constant 1 : index
    %get3A_79 = arith.constant 2 : index
    %get3A_80 = arith.constant 0 : index
    %get3A_81 = arith.constant 0 : index
    %get3A_82 = vector.load %arg3[%get3A_78, %get3A_79, %get3A_80, %get3A_81] : memref<2x4x1000x128xf32, #tpu.memory_space<vmem>>, vector<1x1x1000x128xf32>
    %get3A_83 = vector.shape_cast %get3A_82 : vector<1x1x1000x128xf32> to vector<1000x128xf32>
    %add3A_84 = arith.addf %add3A_77, %get3A_83 : vector<1000x128xf32>
    %get3A_85 = arith.constant 256 : index
    %get3A_86 = arith.constant 0 : index
    %get3A_87 = vector.load %arg4[%get3A_85, %get3A_86] : memref<512x512xf32, #tpu.memory_space<vmem>>, vector<128x512xf32>
    %dot_general3A_88 = arith.constant dense<0.000000e+00> : vector<1000x512xf32>
    %dot_general3A_89 = tpu.matmul %add3A_84, %get3A_87, %dot_general3A_88 {dimension_numbers = #tpu.dot_dimension_numbers<[1], [0], [0], [1], [0, 0, 1, 1], [], []>, transpose_lhs_hint = false} : vector<1000x128xf32>, vector<128x512xf32>, vector<1000x512xf32> -> vector<1000x512xf32>
    %add3A_90 = arith.addf %add3A_58, %dot_general3A_89 : vector<1000x512xf32>
    %get3A_91 = arith.constant 3 : index
    %get3A_92 = arith.constant 0 : index
    %get3A_93 = arith.constant 0 : index
    %get3A_94 = vector.load %arg2[%get3A_91, %get3A_92, %get3A_93] : memref<4x1000x128xf32, #tpu.memory_space<vmem>>, vector<1x1000x128xf32>
    %get3A_95 = vector.shape_cast %get3A_94 : vector<1x1000x128xf32> to vector<1000x128xf32>
    %get3A_96 = arith.constant 0 : index
    %get3A_97 = arith.constant 0 : index
    %get3A_98 = memref.load %arg1[%get3A_96, %get3A_97] : memref<1x1xf32, #tpu.memory_space<smem>>
    %add3A_99 = arith.constant 1.000000e+00 : f32
    %add3A_100 = arith.addf %add3A_99, %get3A_98 : f32
    %mul3A_101 = vector.broadcast %add3A_100 : f32 to vector<1000x128xf32>
    %mul3A_102 = arith.mulf %get3A_95, %mul3A_101 : vector<1000x128xf32>
    %get3A_103 = arith.constant 0 : index
    %get3A_104 = arith.constant 3 : index
    %get3A_105 = arith.constant 0 : index
    %get3A_106 = arith.constant 0 : index
    %get3A_107 = vector.load %arg3[%get3A_103, %get3A_104, %get3A_105, %get3A_106] : memref<2x4x1000x128xf32, #tpu.memory_space<vmem>>, vector<1x1x1000x128xf32>
    %get3A_108 = vector.shape_cast %get3A_107 : vector<1x1x1000x128xf32> to vector<1000x128xf32>
    %add3A_109 = arith.addf %mul3A_102, %get3A_108 : vector<1000x128xf32>
    %get3A_110 = arith.constant 1 : index
    %get3A_111 = arith.constant 3 : index
    %get3A_112 = arith.constant 0 : index
    %get3A_113 = arith.constant 0 : index
    %get3A_114 = vector.load %arg3[%get3A_110, %get3A_111, %get3A_112, %get3A_113] : memref<2x4x1000x128xf32, #tpu.memory_space<vmem>>, vector<1x1x1000x128xf32>
    %get3A_115 = vector.shape_cast %get3A_114 : vector<1x1x1000x128xf32> to vector<1000x128xf32>
    %add3A_116 = arith.addf %add3A_109, %get3A_115 : vector<1000x128xf32>
    %get3A_117 = arith.constant 384 : index
    %get3A_118 = arith.constant 0 : index
    %get3A_119 = vector.load %arg4[%get3A_117, %get3A_118] : memref<512x512xf32, #tpu.memory_space<vmem>>, vector<128x512xf32>
    %dot_general3A_120 = arith.constant dense<0.000000e+00> : vector<1000x512xf32>
    %dot_general3A_121 = tpu.matmul %add3A_116, %get3A_119, %dot_general3A_120 {dimension_numbers = #tpu.dot_dimension_numbers<[1], [0], [0], [1], [0, 0, 1, 1], [], []>, transpose_lhs_hint = false} : vector<1000x128xf32>, vector<128x512xf32>, vector<1000x512xf32> -> vector<1000x512xf32>
    %add3A_122 = arith.addf %add3A_90, %dot_general3A_121 : vector<1000x512xf32>
    %get3A_123 = arith.constant 0 : index
    %get3A_124 = arith.constant 0 : index
    %get3A_125 = vector.load %arg5[%get3A_123, %get3A_124] : memref<1x512xf32, #tpu.memory_space<vmem>>, vector<1x512xf32>
    %add3A_126 = vector.broadcast %get3A_125 : vector<1x512xf32> to vector<1000x512xf32>
    %add3A_127 = arith.addf %add3A_122, %add3A_126 : vector<1000x512xf32>
    %max3A = arith.constant 0.000000e+00 : f32
    %max3A_128 = vector.broadcast %max3A : f32 to vector<1000x512xf32>
    %max3A_129 = arith.maximumf %add3A_127, %max3A_128 : vector<1000x512xf32>
    %get3A_130 = arith.constant 0 : index
    %get3A_131 = arith.constant 0 : index
    %get3A_132 = vector.load %arg6[%get3A_130, %get3A_131] : memref<1x512xf32, #tpu.memory_space<vmem>>, vector<1x512xf32>
    %mul3A_133 = arith.constant 0.999994993 : f32
    %mul3A_134 = vector.broadcast %mul3A_133 : f32 to vector<1x512xf32>
    %mul3A_135 = arith.mulf %get3A_132, %mul3A_134 : vector<1x512xf32>
    %mul3A_136 = vector.broadcast %mul3A_135 : vector<1x512xf32> to vector<1000x512xf32>
    %mul3A_137 = arith.mulf %max3A_129, %mul3A_136 : vector<1000x512xf32>
    %get3A_138 = arith.constant 0 : index
    %get3A_139 = arith.constant 0 : index
    %get3A_140 = vector.load %arg7[%get3A_138, %get3A_139] : memref<1x512xf32, #tpu.memory_space<vmem>>, vector<1x512xf32>
    %add3A_141 = vector.broadcast %get3A_140 : vector<1x512xf32> to vector<1000x512xf32>
    %add3A_142 = arith.addf %mul3A_137, %add3A_141 : vector<1000x512xf32>
    %get3A_143 = arith.constant 0 : index
    %get3A_144 = arith.constant 0 : index
    %get3A_145 = vector.load %arg8[%get3A_143, %get3A_144] : memref<512x512xf32, #tpu.memory_space<vmem>>, vector<512x512xf32>
    %dot_general3A_146 = arith.constant dense<0.000000e+00> : vector<1000x512xf32>
    %dot_general3A_147 = tpu.matmul %add3A_142, %get3A_145, %dot_general3A_146 {dimension_numbers = #tpu.dot_dimension_numbers<[1], [0], [0], [1], [0, 0, 1, 1], [], []>, transpose_lhs_hint = false} : vector<1000x512xf32>, vector<512x512xf32>, vector<1000x512xf32> -> vector<1000x512xf32>
    %get3A_148 = arith.constant 0 : index
    %get3A_149 = arith.constant 0 : index
    %get3A_150 = vector.load %arg9[%get3A_148, %get3A_149] : memref<1x512xf32, #tpu.memory_space<vmem>>, vector<1x512xf32>
    %add3A_151 = vector.broadcast %get3A_150 : vector<1x512xf32> to vector<1000x512xf32>
    %add3A_152 = arith.addf %dot_general3A_147, %add3A_151 : vector<1000x512xf32>
    %max3A_153 = arith.constant 0.000000e+00 : f32
    %max3A_154 = vector.broadcast %max3A_153 : f32 to vector<1000x512xf32>
    %max3A_155 = arith.maximumf %add3A_152, %max3A_154 : vector<1000x512xf32>
    %swap3A = arith.constant 0 : index
    %swap3A_156 = arith.constant 0 : index
    %swap3A_157 = vector.load %arg10[%swap3A, %swap3A_156] : memref<1000x512xf32, #tpu.memory_space<vmem>>, vector<1000x512xf32>
    tpu.vector_store %arg10[%swap3A, %swap3A_156], %max3A_155 {strides = array<i32>} : memref<1000x512xf32, #tpu.memory_space<vmem>>, vector<1000x512xf32>,
    return
  }
  func.func @transform_0(%arg0: i32) -> (i32, i32) {
    %c0_i32 = arith.constant 0 : i32
    %c0_i32_0 = arith.constant 0 : i32
    %c0_i32_1 = arith.constant 0 : i32
    return %c0_i32, %c0_i32_0 : i32, i32
  }
  func.func @transform_1(%arg0: i32) -> (i32, i32, i32) {
    %c0_i32 = arith.constant 0 : i32
    %c0_i32_0 = arith.constant 0 : i32
    %c0_i32_1 = arith.constant 0 : i32
    return %c0_i32, %arg0, %c0_i32_0 : i32, i32, i32
  }
  func.func @transform_2(%arg0: i32) -> (i32, i32, i32, i32) {
    %c0_i32 = arith.constant 0 : i32
    %c0_i32_0 = arith.constant 0 : i32
    %c0_i32_1 = arith.constant 0 : i32
    %c0_i32_2 = arith.constant 0 : i32
    return %c0_i32, %c0_i32_0, %arg0, %c0_i32_1 : i32, i32, i32, i32
  }
  func.func @transform_3(%arg0: i32) -> (i32, i32) {
    %c0_i32 = arith.constant 0 : i32
    %c0_i32_0 = arith.constant 0 : i32
    %c0_i32_1 = arith.constant 0 : i32
    return %c0_i32, %c0_i32_0 : i32, i32
  }
  func.func @transform_4(%arg0: i32) -> (i32, i32) {
    %c0_i32 = arith.constant 0 : i32
    %c0_i32_0 = arith.constant 0 : i32
    %c0_i32_1 = arith.constant 0 : i32
    return %c0_i32, %c0_i32_0 : i32, i32
  }
  func.func @transform_5(%arg0: i32) -> (i32, i32) {
    %c0_i32 = arith.constant 0 : i32
    %c0_i32_0 = arith.constant 0 : i32
    %c0_i32_1 = arith.constant 0 : i32
    return %c0_i32, %c0_i32_0 : i32, i32
  }
  func.func @transform_6(%arg0: i32) -> (i32, i32) {
    %c0_i32 = arith.constant 0 : i32
    %c0_i32_0 = arith.constant 0 : i32
    %c0_i32_1 = arith.constant 0 : i32
    return %c0_i32, %c0_i32_0 : i32, i32
  }
  func.func @transform_7(%arg0: i32) -> (i32, i32) {
    %c0_i32 = arith.constant 0 : i32
    %c0_i32_0 = arith.constant 0 : i32
    %c0_i32_1 = arith.constant 0 : i32
    return %c0_i32, %c0_i32_0 : i32, i32
  }
  func.func @transform_8(%arg0: i32) -> (i32, i32) {
    %c0_i32 = arith.constant 0 : i32
    %c0_i32_0 = arith.constant 0 : i32
    %c0_i32_1 = arith.constant 0 : i32
    return %c0_i32, %c0_i32_0 : i32, i32
  }
  func.func @transform_9(%arg0: i32) -> (i32, i32) {
    %c0_i32 = arith.constant 0 : i32
    %c0_i32_0 = arith.constant 0 : i32
    return %arg0, %c0_i32 : i32, i32
  }
}

</mosaic_0001>

<sc_bundles>
// kernel: kernel.6.cloned.1.call-start
scs
__scs_entry_jumppad:
0x0: {  	(pc) =	sbr.rel $0x88, $3  }
0x1: {  	(tag) =	ssettag $0x0;
	lr =	simm.s32 $0x1  }
0x2: {  	[smem:$0x3F91] =	sst lr;
	_ =	strace $0xD0000000  }
0x3: {  	_ = 	snop  }
0x4: {  	_ = 	snop  }
0x5: {  	_ = 	snop  }
0x6: {  	_ = 	snop  }
0x7: {  	_ = 	snop  }
__scs_overlays_trampoline_lowered:
0x8: {  	[smem:$0x3FA0] =	sst s0  }
0x9: {  	[smem:$0x3FA1] =	sst s1  }
0xa: {  	[smem:$0x3FA2] =	sst s2  }
0xb: {  	[smem:$0x3FA3] =	sst s3  }
0xc: {  	[smem:$0x3FA4] =	sst s4  }
0xd: {  	[smem:$0x3FA5] =	sst s5  }
0xe: {  	[smem:$0x3FA6] =	sst s6  }
0xf: {  	[smem:$0x3FA7] =	sst s7  }
0x10: {  	[smem:$0x3FA8] =	sst s8  }
0x11: {  	[smem:$0x3FA9] =	sst s9;
	s0 =	simm.s32 @!p0 $0x0  }
0x12: {  	s1 =	sld [smem:$0x3F8F];
	s0 =	simm.s32 @p0 $0x1  }
0x13: {  	[smem:$0x3FAA] =	sst s0;
	s0 =	simm.s32 @!p1 $0x0  }
0x14: {  	s2 =	sld [smem:$0x3F8E];
	s0 =	simm.s32 @p1 $0x1  }
0x15: {  	[smem:$0x3FAB] =	sst s0;
	s0 =	simm.s32 @!p2 $0x0  }
0x16: {  	s3 =	sld [smem:$0x3FDB];
	s0 =	simm.s32 @p2 $0x1  }
0x17: {  	s4 =	simm.s32 $0x1BF5;
	[smem:$0x3FAD] =	sst s0  }
0x18: {  	s0 =	sld [smem:$0x3F90];
	_ =	swait.ge [sflag:s4], $0x0  }
0x19: {  	s7 =	sld [smem:$0x3F91]  }
0x1a: {  	s8 =	sadd.s32 $0xFFFFE003, lr  }
0x1b: {  	s9 =	sadd.s32 $0xFFFFFEF7, lr;
	s5 =	simm.s32 $0xFFFFFFFF;
	p2 =	slt.u32 s8, $0xFFFFF086  }
0x1c: {  	p1 =	slt.u32 s9, $0xF7A;
	s5 =	simm.s32 @!p2 $0x0  }
0x1d: {  	s5 =	simm.s32 @p1 $0x1;
	p0 =	seq.s32 s7, s2  }
0x1e: {  	s7 =	smul.u32 @!p0 $0xF7A, s2;
	p2 =	seq.s32 @!p0 s5, $0x0  }
0x1f: {  	s9 =	smul.u32 $0xF7A, s1;
	s8 =	simm.s32 @!p0 $0x1BF5;
	p2 =	por !p2, p0  }
0x20: {  	[sflag:s8] =	ssyncset.s32 @!p0 $0xFFFFF086;
	s6 =	sadd.s32 @!p0 s3, s7;
	s7 =	simm.s32 @!p0 $0x108  }
0x21: {  	s3 =	sadd.s32 s3, s9;
	s6 =	sadd.s32 @!p0 $0x88, s6;
	s7 =	simm.s32 @p2 $0x1082  }
0x22: {  	[simem:s7], [sflag:s8] =	dma.local @!p0 [hbm:s6], $0xF7A  }
0x23: {  	s9 =	sor.u32 $0xD0000000, s2;
	s6 =	simm.s32 $0x108;
	_ =	swait.ge @!p0 [sflag:s8], $0x0  }
0x24: {  	s3 =	sadd.s32 $0x88, s3;
	s6 =	simm.s32 @!p1 $0x1082;
	[sflag:s4] =	ssyncset.s32 $0xFFFFF086  }
0x25: {  	[simem:s6], [sflag:s4] =	dma.local [hbm:s3], $0xF7A  }
0x26: {  	[smem:$0x3F91] =	sst s1;
	(tag) =	ssettag s2;
	_ =	strace s9  }
0x27: {  	s1 =	sld [smem:$0x3FA1]  }
0x28: {  	s2 =	sld [smem:$0x3FA2]  }
0x29: {  	s4 =	sld [smem:$0x3FA4]  }
0x2a: {  	p0 =	seq.s32 s5, $0x0;
	s5 =	sld [smem:$0x3FA5]  }
0x2b: {  	s6 =	sld [smem:$0x3FA6]  }
0x2c: {  	s7 =	sld [smem:$0x3FA7]  }
0x2d: {  	s3 =	simm.s32 $0x108;
	s8 =	sld [smem:$0x3FA8]  }
0x2e: {  	s3 =	simm.s32 @!p0 $0x1082;
	s9 =	sld [smem:$0x3FA9]  }
0x2f: {  	lr =	sadd.s32 s0, s3;
	s0 =	sld [smem:$0x3FA0]  }
0x30: {  	s3 =	sld [smem:$0x3FA3]  }
0x31: {  	[smem:$0x3FAC] =	sst s10  }
0x32: {  	s10 =	sld [smem:$0x3FAA];
	_ =	sdelay $0x3  }
0x33: {  	p0 =	seq.s32 s10, $0x1;
	s10 =	sld [smem:$0x3FAC];
	_ =	sdelay $0x3  }
0x34: {  	[smem:$0x3FAC] =	sst s10  }
0x35: {  	s10 =	sld [smem:$0x3FAB];
	_ =	sdelay $0x3  }
0x36: {  	p1 =	seq.s32 s10, $0x1;
	s10 =	sld [smem:$0x3FAC];
	_ =	sdelay $0x3  }
0x37: {  	[smem:$0x3FAC] =	sst s10  }
0x38: {  	s10 =	sld [smem:$0x3FAD]  }
0x39: {  	_ = 	snop;
	(pc) =	sbr.ind lr, $3  }
0x3a: {  	_ = 	snop  }
0x3b: {  	_ = 	snop  }
0x3c: {  	p2 =	seq.s32 s10, $0x1;
	s10 =	sld [smem:$0x3FAC]  }
0x3d: {  	_ =	shalt  }
0x3e: {  	_ =	shalt  }
0x3f: {  	_ =	shalt  }
0x40: {  	_ =	shalt  }
0x41: {  	_ =	shalt  }
0x42: {  	_ =	shalt  }
0x43: {  	_ =	shalt  }
0x44: {  	_ =	shalt  }
0x45: {  	_ =	shalt  }
0x46: {  	_ =	shalt  }
0x47: {  	_ =	shalt  }
0x48: {  	_ =	shalt  }
0x49: {  	_ =	shalt  }
0x4a: {  	_ =	shalt  }
0x4b: {  	_ =	shalt  }
0x4c: {  	_ =	shalt  }
0x4d: {  	_ =	shalt  }
0x4e: {  	_ =	shalt  }
0x4f: {  	_ =	shalt  }
0x50: {  	_ =	shalt  }
0x51: {  	_ =	shalt  }
0x52: {  	_ =	shalt  }
0x53: {  	_ =	shalt  }
0x54: {  	_ =	shalt  }
0x55: {  	_ =	shalt  }
0x56: {  	_ =	shalt  }
0x57: {  	_ =	shalt  }
0x58: {  	_ =	shalt  }
0x59: {  	_ =	shalt  }
0x5a: {  	_ =	shalt  }
0x5b: {  	_ =	shalt  }
0x5c: {  	_ =	shalt  }
0x5d: {  	_ =	shalt  }
0x5e: {  	_ =	shalt  }
0x5f: {  	_ =	shalt  }
0x60: {  	_ =	shalt  }
0x61: {  	_ =	shalt  }
0x62: {  	_ =	shalt  }
0x63: {  	_ =	shalt  }
0x64: {  	_ =	shalt  }
0x65: {  	_ =	shalt  }
0x66: {  	_ =	shalt  }
0x67: {  	_ =	shalt  }
0x68: {  	_ =	shalt  }
0x69: {  	_ =	shalt  }
0x6a: {  	_ =	shalt  }
0x6b: {  	_ =	shalt  }
0x6c: {  	_ =	shalt  }
0x6d: {  	_ =	shalt  }
0x6e: {  	_ =	shalt  }
0x6f: {  	_ =	shalt  }
0x70: {  	_ =	shalt  }
0x71: {  	_ =	shalt  }
0x72: {  	_ =	shalt  }
0x73: {  	_ =	shalt  }
0x74: {  	_ =	shalt  }
0x75: {  	_ =	shalt  }
0x76: {  	_ =	shalt  }
0x77: {  	_ =	shalt  }
0x78: {  	_ =	shalt  }
0x79: {  	_ =	shalt  }
0x7a: {  	_ =	shalt  }
0x7b: {  	_ =	shalt  }
0x7c: {  	_ =	shalt  }
0x7d: {  	_ =	shalt  }
0x7e: {  	_ =	shalt  }
0x7f: {  	_ =	shalt  }
0x80: {  	_ =	shalt  }
0x81: {  	_ =	shalt  }
0x82: {  	_ =	shalt  }
0x83: {  	_ =	shalt  }
0x84: {  	_ =	shalt  }
0x85: {  	_ =	shalt  }
0x86: {  	_ =	shalt  }
0x87: {  	_ =	shalt  }
.Lfunc_end0:
.L_simem_size_0:
called_computation_lowered:
.L_overlay_start_0:
0x88: {  	s2 =	sld [smem:$0x3FD9]  }
0x89: {  	s3 =	sld [smem:$0x3FFE];
	_ =	sdelay $0x1  }
0x8a: {  	s1 =	srdreg.scid  }
0x8b: {  	s0 =	sand.u32 $0x1, s1  }
0x8c: {  	s17 =	sshll.u32 s0, $0xA;
	s2 =	sadd.s32 s3, s2  }
0x8d: {  	s2 =	sadd.s32 s2, s17  }
0x8e: {  	[smem:$0x3FB8] =	sst s2  }
0x8f: {  	_ = 	snop  }
0x90: {  	s2 =	sld [smem:$0x3FC9]  }
0x91: {  	s18 =	sld [smem:$0x3FD0];
	(tm) =	ssettm $0x1  }
0x92: {  	s4 =	sld [smem:$0x3FFB];
	_ =	sdelay $0x3  }
0x93: {  	_ =	strace s4  }
0x94: {  	s4 =	sld [smem:$0x3FFC];
	_ =	sdelay $0x3  }
0x95: {  	_ =	strace s4  }
0x96: {  	s4 =	sld [smem:$0x3FFD];
	_ =	sdelay $0x3  }
0x97: {  	_ =	strace s4  }
0x98: {  	_ =	strace $0x8FFFFFFF  }
0x99: {  	s19 =	sld [smem:$0x3FDB];
	_ =	sdelay $0x1  }
0x9a: {  	s5 =	simm.s32 $_scs_section_size  }
0x9b: {  	s6 =	simm.s32 $_size__tile_overlayer_lowered;
	s7 =	simm.s32 $_tile_overlayer_lowered  }
0x9c: {  	s22 =	simm.s32 $0x1BFF;
	s21 =	sshll.u32 s7, $0x1;
	s4 =	sadd.s32 s5, s19  }
0x9d: {  	s8 =	simm.s32 $0x0;
	s20 =	sshll.u32 s6, $0x1;
	s6 =	sadd.s32 s21, s4  }
0x9e: {  	[timem:s8], [sflag:s22] =	dma.local [hbm:s6], s20  }
0x9f: {  	_ =	swait.ge [sflag:s22], s20  }
0xa0: {  	s5 =	ssub.s32 $0x0, s20;
	[sflag:s22] =	ssyncset.done $0x0  }
0xa1: {  	[sflag:s22] =	ssyncadd.s32 s5;
	_ =	sdelay $0x1  }
0xa2: {  	s23 =	simm.s32 $0x1B8B  }
0xa3: {  	_ =	swait.ge [sflag:s23], $0x1  }
0xa4: {  	[sflag:s23] =	ssyncset.done $0x0  }
0xa5: {  	s25 =	simm.s32 $0x1B8E;
	s24 =	sld [smem:$0x3FFE];
	[sflag:s23] =	ssyncadd.s32 $0xFFFFFFFF  }
0xa6: {  	s26 =	simm.s32 $execute0_lowered;
	[smem:$0x3FD2] =	sst s25  }
0xa7: {  	s6 =	sshll.u32 s26, $0x1;
	_ =	strace $0x80000046;
	[dreg:$0x1] =	wrdreg $0xFFFFFFFF  }
0xa8: {  	s28 =	simm.s32 $_size_execute0_lowered;
	s4 =	sadd.s32 s4, s6;
	[dreg:$0x0] =	wrdreg $0x0  }
0xa9: {  	s6 =	sshll.u32 s28, $0x1;
	[dreg:$0x2] =	wrdreg s4  }
0xaa: {  	[dreg:$0x3] =	wrdreg s6  }
0xab: {  	[dreg:$0x4] =	wrdreg $0xC0  }
0xac: {  	_ =	task [dreg:s8], $0x5FFFF  }
0xad: {  	[dreg:$0x1] =	wrdreg $0xFFFFFFFF  }
0xae: {  	[dreg:$0x0] =	wrdreg $0x60  }
0xaf: {  	[dreg:$0x2] =	wrdreg s2  }
0xb0: {  	[dreg:$0x3] =	wrdreg s24  }
0xb1: {  	[dreg:$0x4] =	wrdreg s18  }
0xb2: {  	[dreg:$0x5] =	wrdreg $0x0  }
0xb3: {  	[dreg:$0x6] =	wrdreg $0x9  }
0xb4: {  	_ =	task.clear_ibuf [dreg:s8], $0x7FFFF;
	_ =	strace $0x90000046  }
0xb5: {  	s29 =	simm.s32 $0x9;
	_ =	strace $0x80000048  }
0xb6: {  	_ =	swait.ge [sflag:s29], $0x1  }
0xb7: {  	[sflag:s29] =	ssyncadd.s32 $0xFFFFFFFF  }
0xb8: {  	_ =	strace $0x90000048  }
0xb9: {  	_ =	sfence  }
0xba: {  	s30 =	sld [smem:$0x0];
	_ =	sdelay $0x2  }
0xbb: {  	s31 =	sshll.u32 s1, $0xD;
	s1 =	sshrl.u32 s1, $0x2  }
0xbc: {  	s3 =	sand.u32 $0x4000, s31;
	s1 =	sadd.s32 s1, s30  }
0xbd: {  	s0 =	sor.u32 s3, s0;
	s1 =	sshll.u32 s1, $0x11  }
0xbe: {  	s0 =	sor.u32 s1, s0  }
0xbf: {  	s0 =	sadd.s32 $0x8F2B, s0  }
0xc0: {  	[sflag:s0] =	ssyncadd.remote.s32 $0x1  }
0xc1: {  	_ =	sfence.sel $0xFFFF  }
0xc2: {  	[dreg:$0x0] =	wrdreg $0xFFFFFFFF;
	(pc) =	sbr.abs _section_cstart, $3  }
0xc3: {  	[dreg:$0x1] =	wrdreg $0xFFFFFFFF  }
0xc4: {  	_ =	task.clear_ibuf [dreg:s8], $0x2FFFF;
	_ =	strace $0x9FFFFFFF  }
0xc5: {  	(tm) =	ssettm $0x7FFFFFFF  }
tec
execute0_lowered:
.L_overlay_start_1:
0x0: {  	(tag) =	ssettag $0x1  }
0x1: {  	s0 =	rddreg [dreg:$0x0]  }
0x2: {  	s5 =	rddreg [dreg:$0x1]  }
0x3: {  	s6 =	rddreg [dreg:$0x2]  }
0x4: {  	s1 =	srdreg.scid;
	s3 =	rddreg [dreg:$0x3]  }
0x5: {  	s2 =	rddreg [dreg:$0x4];
	s4 =	simm.s32 $0x0;
	s7 =	sand.u32 $0x1, s1  }
0x6: {  	s14 =	simm.s32 $0x14000;
	s1 =	stileid.u32;
	s8 =	smul.u32 $0x27100, s7  }
0x7: {  	s15 =	simm.s32 $0x2;
	s16 =	simm.s32 $0x18000;
	s9 =	smul.u32 $0x2710, s1  }
0x8: {  	s17 =	simm.s32 $0x18080;
	s18 =	simm.s32 $0x50;
	s10 =	smul.u32 $0x50000, s1  }
0x9: {  	s19 =	simm.s32 $0x18100;
	s20 =	simm.s32 $0x1;
	s28 =	smul.u32 $0x140000, s7  }
0xa: {  	s22 =	simm.s32 $0x0;
	[smem:$0x7FF] =	sst s4;
	s11 =	smul.u32 $0x14000, s1  }
0xb: {  	_ =	strace $0x80000047;
	s29 =	ssub.s32 $0x2, s7;
	s21 =	sshll.u32 s1, $0x6  }
0xc: {  	s7 =	sshrl.u32 s29, $0x1;
	s21 =	sor.u32 $0x1C02, s21;
	s8 =	sadd.s32 s9, s8  }
0xd: {  	s30 =	sshrl.u32 s10, $0x2;
	s9 =	sadd.s32 s11, s28;
	s7 =	ssub.s32 s29, s7  }
0xe: {  	s8 =	sshrl.u32 s8, $0x3;
	s31 =	sshrl.u32 s9, $0x3;
	s7 =	smax.u32 s7, $0x1  }
0xf: {  	s13 =	sadd.s32 s8, s5;
	s5 =	sadd.s32 s30, s3;
	s6 =	sadd.s32 s6, s31  }
0x10: {  	s8 =	sadd.s32 $0x4000, s5;
	s9 =	sadd.s32 $0x8000, s5;
	s10 =	sadd.s32 $0xC000, s5  }
0x11: {  	v0 =	vimm.f32 $0.0e+00;
	s11 =	sadd.s32 $0x10000, s5;
	s12 =	sadd.s32 $0x3400, s13;
	s13 =	sadd.s32 $0xD200, s13  }
.LBB2_1:
0x12: {  	s23 =	sand.u32 $0xFE00, s4  }
0x13: {  	s24 =	sand.u32 $0x70, s4;
	s25 =	sshrl.u32 s23, $0x2  }
0x14: {  	s23 =	simm.s32 $0x40;
	s25 =	sor.u32 s24, s25;
	s24 =	simm.s32 $0x0  }
.LBB2_2:
0x15: {  	p0 =	sne.s32 s23, $0xFFC0  }
0x16: {  	[tilespmem:s25+$0x14000] =	vst v0;
	s24 =	sadd.s32 $0x10, s24;
	s25 =	smov.u32 s23;
	s23 =	sadd.s32 $0x40, s23  }
.Ltmp0:
0x17: {  	(pc) =	sbr.rel @p0 .LBB2_2-.Ltmp0, $4  }
0x18: {  	_ = 	snop  }
0x19: {  	s25 =	sand.u32 $0xFE00, s25  }
0x1a: {  	s26 =	sand.u32 $0x70, s24;
	s25 =	sshrl.u32 s25, $0x2  }
0x1b: {  	s25 =	sor.u32 s26, s25  }
0x1c: {  	[tilespmem:s25+$0x14000] =	vst v0  }
0x1d: {  	[spmem:s5] =	stream.linear.scatter [tilespmem:s14], [sflag:$0x2], $0x4000, $0x38;
	[tilespmem:$0x1A900] =	vst v63  }
0x1e: {  	_ =	swait.ge [sflag:s15], $0x4000  }
0x1f: {  	[sflag:s15] =	ssyncset.done $0x0  }
0x20: {  	[sflag:s15] =	ssyncadd.s32 $0xFFFFC000  }
0x21: {  	[spmem:s8] =	stream.linear.scatter [tilespmem:s14], [sflag:$0x2], $0x4000, $0x38;
	[tilespmem:$0x1A900] =	vst v63  }
0x22: {  	_ =	swait.ge [sflag:s15], $0x4000  }
0x23: {  	[sflag:s15] =	ssyncset.done $0x0  }
0x24: {  	[sflag:s15] =	ssyncadd.s32 $0xFFFFC000  }
0x25: {  	[spmem:s9] =	stream.linear.scatter [tilespmem:s14], [sflag:$0x2], $0x4000, $0x38;
	[tilespmem:$0x1A900] =	vst v63  }
0x26: {  	_ =	swait.ge [sflag:s15], $0x4000  }
0x27: {  	[sflag:s15] =	ssyncset.done $0x0  }
0x28: {  	[sflag:s15] =	ssyncadd.s32 $0xFFFFC000  }
0x29: {  	[spmem:s10] =	stream.linear.scatter [tilespmem:s14], [sflag:$0x2], $0x4000, $0x38;
	[tilespmem:$0x1A900] =	vst v63  }
0x2a: {  	_ =	swait.ge [sflag:s15], $0x4000  }
0x2b: {  	[sflag:s15] =	ssyncset.done $0x0  }
0x2c: {  	[sflag:s15] =	ssyncadd.s32 $0xFFFFC000  }
0x2d: {  	[spmem:s11] =	stream.linear.scatter [tilespmem:s14], [sflag:$0x2], $0x4000, $0x38;
	[tilespmem:$0x1A900] =	vst v63  }
0x2e: {  	_ =	swait.ge [sflag:s15], $0x4000  }
0x2f: {  	[sflag:s15] =	ssyncset.done $0x0  }
0x30: {  	[sflag:s15] =	ssyncadd.s32 $0xFFFFC000  }
0x31: {  	s23 =	sadd.s32 $0x0, s13;
	[bflag:$0x0] =	sbarrier.arrive $0xFFFF  }
0x32: {  	[tilespmem:s16], [sflag:$0x2] =	stream.linear.gather [hbm4b:s23+s4], $0x50, $0x38;
	[tilespmem:$0x1A900] =	vst v63  }
0x33: {  	_ =	swait.ge [sflag:s15], $0x50  }
0x34: {  	[sflag:s15] =	ssyncset.done $0x0  }
0x35: {  	s31 =	sadd.s32 $0x0, s12;
	[sflag:s15] =	ssyncadd.s32 $0xFFFFFFB0  }
0x36: {  	[tilespmem:s17], [sflag:$0x2] =	stream.linear.gather [hbm4b:s31+s4], $0x50, $0x38;
	[tilespmem:$0x1A900] =	vst v63  }
0x37: {  	_ =	swait.ge [sflag:s15], $0x50  }
0x38: {  	[sflag:s15] =	ssyncset.done $0x0  }
0x39: {  	[sflag:s15] =	ssyncadd.s32 $0xFFFFFFB0  }
0x3a: {  	[tilespmem:s19], [sflag:$0x1] =	stream.indirect.gather [hbm4b:s0+s18], $0x80, s16, s18, $0xb8;
	[tilespmem:$0x1A900] =	vst v63  }
0x3b: {  	_ =	swait.ge [sflag:s20], $0x2800  }
0x3c: {  	[sflag:s20] =	ssyncset.done $0x0  }
0x3d: {  	[sflag:s20] =	ssyncadd.s32 $0xFFFFD800  }
0x3e: {  	[spmem:s3] =	stream.indirect.scatter.add.f32 [tilespmem:s19], [sflag:$0x2], $0x80, s17, s18, $0xb8;
	[tilespmem:$0x1A900] =	vst v63  }
0x3f: {  	_ =	swait.ge [sflag:s15], $0x2800  }
0x40: {  	s24 =	simm.s32 $0x14;
	s23 =	simm.s32 $0xA;
	[sflag:s15] =	ssyncset.done $0x0  }
.LBB2_4:
0x41: {  	s25 =	sadd.s32 s23, s13  }
0x42: {  	[sflag:s15] =	ssyncadd.s32 $0xFFFFD800;
	s26 =	smov.u32 s24;
	s28 =	sadd.s32 $0xA, s24  }
0x43: {  	[tilespmem:s16], [sflag:$0x2] =	stream.linear.gather [hbm4b:s25+s4], $0x50, $0x38;
	[tilespmem:$0x1A900] =	vst v63  }
0x44: {  	p0 =	sne.s32 s24, $0x4D8;
	_ =	swait.ge [sflag:s15], $0x50  }
0x45: {  	[sflag:s15] =	ssyncset.done $0x0  }
0x46: {  	s24 =	sadd.s32 s23, s12;
	s23 =	smov.u32 s26;
	[sflag:s15] =	ssyncadd.s32 $0xFFFFFFB0  }
0x47: {  	[tilespmem:s17], [sflag:$0x2] =	stream.linear.gather [hbm4b:s24+s4], $0x50, $0x38;
	[tilespmem:$0x1A900] =	vst v63  }
0x48: {  	_ =	swait.ge [sflag:s15], $0x50  }
0x49: {  	[sflag:s15] =	ssyncset.done $0x0  }
0x4a: {  	[sflag:s15] =	ssyncadd.s32 $0xFFFFFFB0  }
0x4b: {  	[tilespmem:s19], [sflag:$0x1] =	stream.indirect.gather [hbm4b:s0+s18], $0x80, s16, s18, $0xb8;
	[tilespmem:$0x1A900] =	vst v63  }
0x4c: {  	_ =	swait.ge [sflag:s20], $0x2800  }
.Ltmp1:
0x4d: {  	[sflag:s20] =	ssyncset.done $0x0;
	(pc) =	sbr.rel @p0 .LBB2_4-.Ltmp1, $4  }
0x4e: {  	[sflag:s20] =	ssyncadd.s32 $0xFFFFD800  }
0x4f: {  	[spmem:s3] =	stream.indirect.scatter.add.f32 [tilespmem:s19], [sflag:$0x2], $0x80, s17, s18, $0xb8;
	[tilespmem:$0x1A900] =	vst v63  }
0x50: {  	_ =	swait.ge [sflag:s15], $0x2800  }
0x51: {  	s24 =	smov.u32 s28;
	[sflag:s15] =	ssyncset.done $0x0  }
0x52: {  	s24 =	sadd.s32 s23, s13;
	[sflag:s15] =	ssyncadd.s32 $0xFFFFD800  }
0x53: {  	[tilespmem:s16], [sflag:$0x2] =	stream.linear.gather [hbm4b:s24+s4], $0x50, $0x38;
	[tilespmem:$0x1A900] =	vst v63  }
0x54: {  	_ =	swait.ge [sflag:s15], $0x50  }
0x55: {  	[sflag:s15] =	ssyncset.done $0x0  }
0x56: {  	s30 =	sadd.s32 s23, s12;
	[sflag:s15] =	ssyncadd.s32 $0xFFFFFFB0  }
0x57: {  	[tilespmem:s17], [sflag:$0x2] =	stream.linear.gather [hbm4b:s30+s4], $0x50, $0x38;
	[tilespmem:$0x1A900] =	vst v63  }
0x58: {  	_ =	swait.ge [sflag:s15], $0x50  }
0x59: {  	[sflag:s15] =	ssyncset.done $0x0  }
0x5a: {  	[sflag:s15] =	ssyncadd.s32 $0xFFFFFFB0  }
0x5b: {  	[tilespmem:s19], [sflag:$0x1] =	stream.indirect.gather [hbm4b:s0+s18], $0x80, s16, s18, $0xb8;
	[tilespmem:$0x1A900] =	vst v63  }
0x5c: {  	_ =	swait.ge [sflag:s20], $0x2800  }
0x5d: {  	[sflag:s20] =	ssyncset.done $0x0  }
0x5e: {  	[sflag:s20] =	ssyncadd.s32 $0xFFFFD800  }
0x5f: {  	[spmem:s3] =	stream.indirect.scatter.add.f32 [tilespmem:s19], [sflag:$0x2], $0x80, s17, s18, $0xb8;
	[tilespmem:$0x1A900] =	vst v63  }
0x60: {  	_ =	swait.ge [sflag:s15], $0x2800  }
0x61: {  	[sflag:s15] =	ssyncset.done $0x0  }
0x62: {  	s22 =	sadd.s32 $0x1, s22;
	[sflag:s15] =	ssyncadd.s32 $0xFFFFD800  }
0x63: {  	s31 =	sshrl.u32 s5, $0x3;
	p0 =	sne.s32 s22, s7;
	[bflag:$0x0] =	sbarrier.arrive $0xFFFF  }
0x64: {  	[hbm:s6], [sflag:s21] =	dma.local [spmem:s31], $0x2800  }
.Ltmp2:
0x65: {  	_ =	swait.ge [sflag:s15], $0x2800;
	(pc) =	sbr.rel @p0 .LBB2_1-.Ltmp2, $3  }
0x66: {  	[sflag:s15] =	ssyncset.done $0x0  }
0x67: {  	[sflag:s15] =	ssyncadd.s32 $0xFFFFD800  }
0x68: {  	[bflag:$0x0] =	sbarrier.arrive $0xFFFF;
	_ =	sdelay $0x1  }
0x69: {  	_ =	sfence.sel $0x180000  }
0x6a: {  	[bflag:$0x0] =	sbarrier.arrive $0xFFFF  }
0x6b: {  	p0 =	sne.s32 s1, $0x0;
	_ =	strace $0x90000047  }
0x6c: {  	s0 =	sadd.s32 @!p0 $0x100000, s2;
	[bflag:$0x2] =	sbarrier.arrive $0xFFFF  }
0x6d: {  	[sflag:s0] =	ssyncadd.tile.s32 @!p0 $0x1;
	_ =	shalt  }
.Lfunc_end2:
_tile_overlayer_lowered:
.L_overlay_start_2:
0x6e: {  	(tag) =	ssettag $0x2  }
0x6f: {  	s0 =	rddreg [dreg:$0x0];
	s2 =	stileid.u32  }
0x70: {  	s1 =	rddreg [dreg:$0x1];
	p0 =	sne.s32 s2, $0x0  }
0x71: {  	s3 =	rddreg [dreg:$0x2];
	[bflag:$0x3] =	sbarrier.arrive $0xFFFF;
	s2 =	simm.s32 @!p0 $0x1C02  }
0x72: {  	[timem:s3], [sflag:s2] =	dma.local @!p0 [hbm:s0], s1  }
0x73: {  	s0 =	simm.s32 @!p0 $0x2  }
0x74: {  	_ =	swait.ge @!p0 [sflag:s0], s1  }
0x75: {  	s1 =	ssub.s32 @!p0 $0x0, s1;
	[sflag:s0] =	ssyncset.done @!p0 $0x0  }
0x76: {  	[sflag:s0] =	ssyncadd.s32 @!p0 s1  }
0x77: {  	[bflag:$0x3] =	sbarrier.arrive $0xFFFF  }
0x78: {  	_ =	shalt  }

// kernel: kernel.9.cloned.1.call-start
scs
__scs_entry_jumppad:
0x0: {  	(pc) =	sbr.rel $0x88, $3  }
0x1: {  	(tag) =	ssettag $0x0;
	lr =	simm.s32 $0x1  }
0x2: {  	[smem:$0x3F91] =	sst lr;
	_ =	strace $0xD0000000  }
0x3: {  	_ = 	snop  }
0x4: {  	_ = 	snop  }
0x5: {  	_ = 	snop  }
0x6: {  	_ = 	snop  }
0x7: {  	_ = 	snop  }
__scs_overlays_trampoline_lowered:
0x8: {  	[smem:$0x3FA0] =	sst s0  }
0x9: {  	[smem:$0x3FA1] =	sst s1  }
0xa: {  	[smem:$0x3FA2] =	sst s2  }
0xb: {  	[smem:$0x3FA3] =	sst s3  }
0xc: {  	[smem:$0x3FA4] =	sst s4  }
0xd: {  	[smem:$0x3FA5] =	sst s5  }
0xe: {  	[smem:$0x3FA6] =	sst s6  }
0xf: {  	[smem:$0x3FA7] =	sst s7  }
0x10: {  	[smem:$0x3FA8] =	sst s8  }
0x11: {  	[smem:$0x3FA9] =	sst s9;
	s0 =	simm.s32 @!p0 $0x0  }
0x12: {  	s1 =	sld [smem:$0x3F8F];
	s0 =	simm.s32 @p0 $0x1  }
0x13: {  	[smem:$0x3FAA] =	sst s0;
	s0 =	simm.s32 @!p1 $0x0  }
0x14: {  	s2 =	sld [smem:$0x3F8E];
	s0 =	simm.s32 @p1 $0x1  }
0x15: {  	[smem:$0x3FAB] =	sst s0;
	s0 =	simm.s32 @!p2 $0x0  }
0x16: {  	s3 =	sld [smem:$0x3FDB];
	s0 =	simm.s32 @p2 $0x1  }
0x17: {  	s4 =	simm.s32 $0x1BF5;
	[smem:$0x3FAD] =	sst s0  }
0x18: {  	s0 =	sld [smem:$0x3F90];
	_ =	swait.ge [sflag:s4], $0x0  }
0x19: {  	s7 =	sld [smem:$0x3F91]  }
0x1a: {  	s8 =	sadd.s32 $0xFFFFE003, lr  }
0x1b: {  	s9 =	sadd.s32 $0xFFFFFEF7, lr;
	s5 =	simm.s32 $0xFFFFFFFF;
	p2 =	slt.u32 s8, $0xFFFFF086  }
0x1c: {  	p1 =	slt.u32 s9, $0xF7A;
	s5 =	simm.s32 @!p2 $0x0  }
0x1d: {  	s5 =	simm.s32 @p1 $0x1;
	p0 =	seq.s32 s7, s2  }
0x1e: {  	s7 =	smul.u32 @!p0 $0xF7A, s2;
	p2 =	seq.s32 @!p0 s5, $0x0  }
0x1f: {  	s9 =	smul.u32 $0xF7A, s1;
	s8 =	simm.s32 @!p0 $0x1BF5;
	p2 =	por !p2, p0  }
0x20: {  	[sflag:s8] =	ssyncset.s32 @!p0 $0xFFFFF086;
	s6 =	sadd.s32 @!p0 s3, s7;
	s7 =	simm.s32 @!p0 $0x108  }
0x21: {  	s3 =	sadd.s32 s3, s9;
	s6 =	sadd.s32 @!p0 $0x88, s6;
	s7 =	simm.s32 @p2 $0x1082  }
0x22: {  	[simem:s7], [sflag:s8] =	dma.local @!p0 [hbm:s6], $0xF7A  }
0x23: {  	s9 =	sor.u32 $0xD0000000, s2;
	s6 =	simm.s32 $0x108;
	_ =	swait.ge @!p0 [sflag:s8], $0x0  }
0x24: {  	s3 =	sadd.s32 $0x88, s3;
	s6 =	simm.s32 @!p1 $0x1082;
	[sflag:s4] =	ssyncset.s32 $0xFFFFF086  }
0x25: {  	[simem:s6], [sflag:s4] =	dma.local [hbm:s3], $0xF7A  }
0x26: {  	[smem:$0x3F91] =	sst s1;
	(tag) =	ssettag s2;
	_ =	strace s9  }
0x27: {  	s1 =	sld [smem:$0x3FA1]  }
0x28: {  	s2 =	sld [smem:$0x3FA2]  }
0x29: {  	s4 =	sld [smem:$0x3FA4]  }
0x2a: {  	p0 =	seq.s32 s5, $0x0;
	s5 =	sld [smem:$0x3FA5]  }
0x2b: {  	s6 =	sld [smem:$0x3FA6]  }
0x2c: {  	s7 =	sld [smem:$0x3FA7]  }
0x2d: {  	s3 =	simm.s32 $0x108;
	s8 =	sld [smem:$0x3FA8]  }
0x2e: {  	s3 =	simm.s32 @!p0 $0x1082;
	s9 =	sld [smem:$0x3FA9]  }
0x2f: {  	lr =	sadd.s32 s0, s3;
	s0 =	sld [smem:$0x3FA0]  }
0x30: {  	s3 =	sld [smem:$0x3FA3]  }
0x31: {  	[smem:$0x3FAC] =	sst s10  }
0x32: {  	s10 =	sld [smem:$0x3FAA];
	_ =	sdelay $0x3  }
0x33: {  	p0 =	seq.s32 s10, $0x1;
	s10 =	sld [smem:$0x3FAC];
	_ =	sdelay $0x3  }
0x34: {  	[smem:$0x3FAC] =	sst s10  }
0x35: {  	s10 =	sld [smem:$0x3FAB];
	_ =	sdelay $0x3  }
0x36: {  	p1 =	seq.s32 s10, $0x1;
	s10 =	sld [smem:$0x3FAC];
	_ =	sdelay $0x3  }
0x37: {  	[smem:$0x3FAC] =	sst s10  }
0x38: {  	s10 =	sld [smem:$0x3FAD]  }
0x39: {  	_ = 	snop;
	(pc) =	sbr.ind lr, $3  }
0x3a: {  	_ = 	snop  }
0x3b: {  	_ = 	snop  }
0x3c: {  	p2 =	seq.s32 s10, $0x1;
	s10 =	sld [smem:$0x3FAC]  }
0x3d: {  	_ =	shalt  }
0x3e: {  	_ =	shalt  }
0x3f: {  	_ =	shalt  }
0x40: {  	_ =	shalt  }
0x41: {  	_ =	shalt  }
0x42: {  	_ =	shalt  }
0x43: {  	_ =	shalt  }
0x44: {  	_ =	shalt  }
0x45: {  	_ =	shalt  }
0x46: {  	_ =	shalt  }
0x47: {  	_ =	shalt  }
0x48: {  	_ =	shalt  }
0x49: {  	_ =	shalt  }
0x4a: {  	_ =	shalt  }
0x4b: {  	_ =	shalt  }
0x4c: {  	_ =	shalt  }
0x4d: {  	_ =	shalt  }
0x4e: {  	_ =	shalt  }
0x4f: {  	_ =	shalt  }
0x50: {  	_ =	shalt  }
0x51: {  	_ =	shalt  }
0x52: {  	_ =	shalt  }
0x53: {  	_ =	shalt  }
0x54: {  	_ =	shalt  }
0x55: {  	_ =	shalt  }
0x56: {  	_ =	shalt  }
0x57: {  	_ =	shalt  }
0x58: {  	_ =	shalt  }
0x59: {  	_ =	shalt  }
0x5a: {  	_ =	shalt  }
0x5b: {  	_ =	shalt  }
0x5c: {  	_ =	shalt  }
0x5d: {  	_ =	shalt  }
0x5e: {  	_ =	shalt  }
0x5f: {  	_ =	shalt  }
0x60: {  	_ =	shalt  }
0x61: {  	_ =	shalt  }
0x62: {  	_ =	shalt  }
0x63: {  	_ =	shalt  }
0x64: {  	_ =	shalt  }
0x65: {  	_ =	shalt  }
0x66: {  	_ =	shalt  }
0x67: {  	_ =	shalt  }
0x68: {  	_ =	shalt  }
0x69: {  	_ =	shalt  }
0x6a: {  	_ =	shalt  }
0x6b: {  	_ =	shalt  }
0x6c: {  	_ =	shalt  }
0x6d: {  	_ =	shalt  }
0x6e: {  	_ =	shalt  }
0x6f: {  	_ =	shalt  }
0x70: {  	_ =	shalt  }
0x71: {  	_ =	shalt  }
0x72: {  	_ =	shalt  }
0x73: {  	_ =	shalt  }
0x74: {  	_ =	shalt  }
0x75: {  	_ =	shalt  }
0x76: {  	_ =	shalt  }
0x77: {  	_ =	shalt  }
0x78: {  	_ =	shalt  }
0x79: {  	_ =	shalt  }
0x7a: {  	_ =	shalt  }
0x7b: {  	_ =	shalt  }
0x7c: {  	_ =	shalt  }
0x7d: {  	_ =	shalt  }
0x7e: {  	_ =	shalt  }
0x7f: {  	_ =	shalt  }
0x80: {  	_ =	shalt  }
0x81: {  	_ =	shalt  }
0x82: {  	_ =	shalt  }
0x83: {  	_ =	shalt  }
0x84: {  	_ =	shalt  }
0x85: {  	_ =	shalt  }
0x86: {  	_ =	shalt  }
0x87: {  	_ =	shalt  }
.Lfunc_end0:
.L_simem_size_0:
called_computation.1_lowered:
.L_overlay_start_0:
0x88: {  	s2 =	sld [smem:$0x3FD9]  }
0x89: {  	s3 =	sld [smem:$0x3FFE];
	_ =	sdelay $0x1  }
0x8a: {  	s1 =	srdreg.scid  }
0x8b: {  	s0 =	sand.u32 $0x1, s1  }
0x8c: {  	s17 =	sshll.u32 s0, $0xA;
	s2 =	sadd.s32 s3, s2  }
0x8d: {  	s2 =	sadd.s32 s2, s17  }
0x8e: {  	[smem:$0x3FB8] =	sst s2  }
0x8f: {  	_ = 	snop  }
0x90: {  	s2 =	sld [smem:$0x3FD0];
	(tm) =	ssettm $0x1  }
0x91: {  	s18 =	sld [smem:$0x3FFB];
	_ =	sdelay $0x3  }
0x92: {  	_ =	strace s18  }
0x93: {  	s3 =	sld [smem:$0x3FFC];
	_ =	sdelay $0x3  }
0x94: {  	_ =	strace s3  }
0x95: {  	s3 =	sld [smem:$0x3FFD];
	_ =	sdelay $0x3  }
0x96: {  	_ =	strace s3  }
0x97: {  	_ =	strace $0x8FFFFFFF  }
0x98: {  	s19 =	sld [smem:$0x3FDB];
	_ =	sdelay $0x1  }
0x99: {  	s4 =	simm.s32 $_scs_section_size  }
0x9a: {  	s5 =	simm.s32 $_size__tile_overlayer_lowered;
	s6 =	simm.s32 $_tile_overlayer_lowered  }
0x9b: {  	s22 =	simm.s32 $0x1BFF;
	s21 =	sshll.u32 s6, $0x1;
	s3 =	sadd.s32 s4, s19  }
0x9c: {  	s7 =	simm.s32 $0x0;
	s20 =	sshll.u32 s5, $0x1;
	s5 =	sadd.s32 s21, s3  }
0x9d: {  	[timem:s7], [sflag:s22] =	dma.local [hbm:s5], s20  }
0x9e: {  	_ =	swait.ge [sflag:s22], s20  }
0x9f: {  	s4 =	ssub.s32 $0x0, s20;
	[sflag:s22] =	ssyncset.done $0x0  }
0xa0: {  	[sflag:s22] =	ssyncadd.s32 s4;
	_ =	sdelay $0x1  }
0xa1: {  	s23 =	simm.s32 $0x1B8B  }
0xa2: {  	_ =	swait.ge [sflag:s23], $0x1  }
0xa3: {  	[sflag:s23] =	ssyncset.done $0x0  }
0xa4: {  	s25 =	simm.s32 $0x1B8E;
	s24 =	sld [smem:$0x3FFE];
	[sflag:s23] =	ssyncadd.s32 $0xFFFFFFFF  }
0xa5: {  	s26 =	simm.s32 $execute0_lowered;
	[smem:$0x3FD2] =	sst s25  }
0xa6: {  	s5 =	sshll.u32 s26, $0x1;
	_ =	strace $0x80000049;
	[dreg:$0x1] =	wrdreg $0xFFFFFFFF  }
0xa7: {  	s28 =	simm.s32 $_size_execute0_lowered;
	s3 =	sadd.s32 s3, s5;
	[dreg:$0x0] =	wrdreg $0x0  }
0xa8: {  	s5 =	sshll.u32 s28, $0x1;
	[dreg:$0x2] =	wrdreg s3  }
0xa9: {  	[dreg:$0x3] =	wrdreg s5  }
0xaa: {  	[dreg:$0x4] =	wrdreg $0xC0  }
0xab: {  	_ =	task [dreg:s7], $0x5FFFF  }
0xac: {  	[dreg:$0x1] =	wrdreg $0xFFFFFFFF  }
0xad: {  	[dreg:$0x0] =	wrdreg $0x60  }
0xae: {  	[dreg:$0x2] =	wrdreg s2  }
0xaf: {  	[dreg:$0x3] =	wrdreg s24  }
0xb0: {  	[dreg:$0x4] =	wrdreg $0x0  }
0xb1: {  	[dreg:$0x5] =	wrdreg $0x9  }
0xb2: {  	_ =	task.clear_ibuf [dreg:s7], $0x6FFFF;
	_ =	strace $0x90000049  }
0xb3: {  	s29 =	simm.s32 $0x9;
	_ =	strace $0x8000004B  }
0xb4: {  	_ =	swait.ge [sflag:s29], $0x1  }
0xb5: {  	[sflag:s29] =	ssyncadd.s32 $0xFFFFFFFF  }
0xb6: {  	_ =	strace $0x9000004B  }
0xb7: {  	_ =	sfence  }
0xb8: {  	s30 =	sld [smem:$0x0];
	_ =	sdelay $0x2  }
0xb9: {  	s31 =	sshll.u32 s1, $0xD;
	s1 =	sshrl.u32 s1, $0x2  }
0xba: {  	s3 =	sand.u32 $0x4000, s31;
	s1 =	sadd.s32 s1, s30  }
0xbb: {  	s0 =	sor.u32 s3, s0;
	s1 =	sshll.u32 s1, $0x11  }
0xbc: {  	s0 =	sor.u32 s1, s0  }
0xbd: {  	s0 =	sadd.s32 $0x8F2B, s0  }
0xbe: {  	[sflag:s0] =	ssyncadd.remote.s32 $0x1  }
0xbf: {  	_ =	sfence.sel $0xFFFF  }
0xc0: {  	[dreg:$0x0] =	wrdreg $0xFFFFFFFF;
	(pc) =	sbr.abs _section_cstart, $3  }
0xc1: {  	[dreg:$0x1] =	wrdreg $0xFFFFFFFF  }
0xc2: {  	_ =	task.clear_ibuf [dreg:s7], $0x2FFFF;
	_ =	strace $0x9FFFFFFF  }
0xc3: {  	(tm) =	ssettm $0x7FFFFFFF  }
tec
execute0_lowered:
.L_overlay_start_1:
0x0: {  	(tag) =	ssettag $0x1  }
0x1: {  	s1 =	rddreg [dreg:$0x0]  }
0x2: {  	s5 =	rddreg [dreg:$0x1]  }
0x3: {  	s3 =	rddreg [dreg:$0x2]  }
0x4: {  	s0 =	srdreg.scid;
	s2 =	rddreg [dreg:$0x3];
	s4 =	simm.s32 $0x0  }
0x5: {  	s17 =	simm.s32 $0x14000;
	s18 =	simm.s32 $0x2;
	s6 =	sand.u32 $0x1, s0  }
0x6: {  	s19 =	simm.s32 $0x18000;
	s0 =	stileid.u32;
	s7 =	smul.u32 $0x27100, s6  }
0x7: {  	s20 =	simm.s32 $0x18080;
	s21 =	simm.s32 $0x50;
	s8 =	smul.u32 $0x2710, s0  }
0x8: {  	s22 =	simm.s32 $0x18100;
	s23 =	simm.s32 $0x1;
	s9 =	smul.u32 $0x500000, s6  }
0x9: {  	s24 =	simm.s32 $0x0;
	[smem:$0x7FF] =	sst s4;
	s10 =	smul.u32 $0x14000, s0  }
0xa: {  	_ =	strace $0x8000004A;
	s26 =	smul.u32 $0x50000, s0;
	s6 =	ssub.s32 $0x2, s6  }
0xb: {  	s30 =	sshrl.u32 s6, $0x1;
	s7 =	sadd.s32 s8, s7;
	s25 =	sadd.s32 s10, s9  }
0xc: {  	s31 =	sshrl.u32 s26, $0x2;
	s11 =	ssub.s32 s6, s30;
	s28 =	sshrl.u32 s25, $0x3  }
0xd: {  	s7 =	sshrl.u32 s7, $0x3;
	s10 =	smax.u32 s11, $0x1;
	s29 =	sadd.s32 s28, s5  }
0xe: {  	s16 =	sadd.s32 s7, s5;
	s5 =	sadd.s32 s31, s3;
	s6 =	sadd.s32 $0x17000, s29  }
0xf: {  	s7 =	sadd.s32 $0x3F000, s29;
	s8 =	sadd.s32 $0x67000, s29;
	s9 =	sadd.s32 $0x8F000, s29  }
0x10: {  	s11 =	sadd.s32 $0x4000, s5;
	s12 =	sadd.s32 $0x8000, s5;
	s13 =	sadd.s32 $0xC000, s5  }
0x11: {  	v0 =	vimm.f32 $0.0e+00;
	s14 =	sadd.s32 $0x10000, s5;
	s15 =	sadd.s32 $0x3400, s16;
	s16 =	sadd.s32 $0xD200, s16  }
.LBB2_1:
0x12: {  	s25 =	sand.u32 $0xFE00, s4  }
0x13: {  	s26 =	sand.u32 $0x70, s4;
	s28 =	sshrl.u32 s25, $0x2  }
0x14: {  	s25 =	simm.s32 $0x40;
	s28 =	sor.u32 s26, s28;
	s26 =	simm.s32 $0x0  }
.LBB2_2:
0x15: {  	p0 =	sne.s32 s25, $0xFFC0  }
0x16: {  	[tilespmem:s28+$0x14000] =	vst v0;
	s26 =	sadd.s32 $0x10, s26;
	s28 =	smov.u32 s25;
	s25 =	sadd.s32 $0x40, s25  }
.Ltmp0:
0x17: {  	(pc) =	sbr.rel @p0 .LBB2_2-.Ltmp0, $4  }
0x18: {  	_ = 	snop  }
0x19: {  	s28 =	sand.u32 $0xFE00, s28  }
0x1a: {  	s29 =	sand.u32 $0x70, s26;
	s28 =	sshrl.u32 s28, $0x2  }
0x1b: {  	s28 =	sor.u32 s29, s28  }
0x1c: {  	[tilespmem:s28+$0x14000] =	vst v0  }
0x1d: {  	[spmem:s5] =	stream.linear.scatter [tilespmem:s17], [sflag:$0x2], $0x4000, $0x38;
	[tilespmem:$0x1A900] =	vst v63  }
0x1e: {  	_ =	swait.ge [sflag:s18], $0x4000  }
0x1f: {  	[sflag:s18] =	ssyncset.done $0x0  }
0x20: {  	[sflag:s18] =	ssyncadd.s32 $0xFFFFC000  }
0x21: {  	[spmem:s11] =	stream.linear.scatter [tilespmem:s17], [sflag:$0x2], $0x4000, $0x38;
	[tilespmem:$0x1A900] =	vst v63  }
0x22: {  	_ =	swait.ge [sflag:s18], $0x4000  }
0x23: {  	[sflag:s18] =	ssyncset.done $0x0  }
0x24: {  	[sflag:s18] =	ssyncadd.s32 $0xFFFFC000  }
0x25: {  	[spmem:s12] =	stream.linear.scatter [tilespmem:s17], [sflag:$0x2], $0x4000, $0x38;
	[tilespmem:$0x1A900] =	vst v63  }
0x26: {  	_ =	swait.ge [sflag:s18], $0x4000  }
0x27: {  	[sflag:s18] =	ssyncset.done $0x0  }
0x28: {  	[sflag:s18] =	ssyncadd.s32 $0xFFFFC000  }
0x29: {  	[spmem:s13] =	stream.linear.scatter [tilespmem:s17], [sflag:$0x2], $0x4000, $0x38;
	[tilespmem:$0x1A900] =	vst v63  }
0x2a: {  	_ =	swait.ge [sflag:s18], $0x4000  }
0x2b: {  	[sflag:s18] =	ssyncset.done $0x0  }
0x2c: {  	[sflag:s18] =	ssyncadd.s32 $0xFFFFC000  }
0x2d: {  	[spmem:s14] =	stream.linear.scatter [tilespmem:s17], [sflag:$0x2], $0x4000, $0x38;
	[tilespmem:$0x1A900] =	vst v63  }
0x2e: {  	_ =	swait.ge [sflag:s18], $0x4000  }
0x2f: {  	[sflag:s18] =	ssyncset.done $0x0  }
0x30: {  	[sflag:s18] =	ssyncadd.s32 $0xFFFFC000  }
0x31: {  	s25 =	sadd.s32 $0x0, s16;
	[bflag:$0x0] =	sbarrier.arrive $0xFFFF  }
0x32: {  	[tilespmem:s19], [sflag:$0x2] =	stream.linear.gather [hbm4b:s25+s4], $0x50, $0x38;
	[tilespmem:$0x1A900] =	vst v63  }
0x33: {  	_ =	swait.ge [sflag:s18], $0x50  }
0x34: {  	[sflag:s18] =	ssyncset.done $0x0  }
0x35: {  	s31 =	sadd.s32 $0x0, s15;
	[sflag:s18] =	ssyncadd.s32 $0xFFFFFFB0  }
0x36: {  	[tilespmem:s20], [sflag:$0x2] =	stream.linear.gather [hbm4b:s31+s4], $0x50, $0x38;
	[tilespmem:$0x1A900] =	vst v63  }
0x37: {  	_ =	swait.ge [sflag:s18], $0x50  }
0x38: {  	[sflag:s18] =	ssyncset.done $0x0  }
0x39: {  	[sflag:s18] =	ssyncadd.s32 $0xFFFFFFB0  }
0x3a: {  	[tilespmem:s22], [sflag:$0x1] =	stream.indirect.gather [hbm4b:s1+s21], $0x80, s19, s21, $0xb8;
	[tilespmem:$0x1A900] =	vst v63  }
0x3b: {  	_ =	swait.ge [sflag:s23], $0x2800  }
0x3c: {  	[sflag:s23] =	ssyncset.done $0x0  }
0x3d: {  	[sflag:s23] =	ssyncadd.s32 $0xFFFFD800  }
0x3e: {  	[spmem:s3] =	stream.indirect.scatter.add.f32 [tilespmem:s22], [sflag:$0x2], $0x80, s20, s21, $0xb8;
	[tilespmem:$0x1A900] =	vst v63  }
0x3f: {  	_ =	swait.ge [sflag:s18], $0x2800  }
0x40: {  	s26 =	simm.s32 $0x14;
	s25 =	simm.s32 $0xA;
	[sflag:s18] =	ssyncset.done $0x0  }
.LBB2_4:
0x41: {  	s28 =	sadd.s32 s25, s16  }
0x42: {  	[sflag:s18] =	ssyncadd.s32 $0xFFFFD800;
	s29 =	smov.u32 s26;
	s30 =	sadd.s32 $0xA, s26  }
0x43: {  	[tilespmem:s19], [sflag:$0x2] =	stream.linear.gather [hbm4b:s28+s4], $0x50, $0x38;
	[tilespmem:$0x1A900] =	vst v63  }
0x44: {  	p0 =	sne.s32 s26, $0x4D8;
	_ =	swait.ge [sflag:s18], $0x50  }
0x45: {  	[sflag:s18] =	ssyncset.done $0x0  }
0x46: {  	s26 =	sadd.s32 s25, s15;
	s25 =	smov.u32 s29;
	[sflag:s18] =	ssyncadd.s32 $0xFFFFFFB0  }
0x47: {  	[tilespmem:s20], [sflag:$0x2] =	stream.linear.gather [hbm4b:s26+s4], $0x50, $0x38;
	[tilespmem:$0x1A900] =	vst v63  }
0x48: {  	_ =	swait.ge [sflag:s18], $0x50  }
0x49: {  	[sflag:s18] =	ssyncset.done $0x0  }
0x4a: {  	[sflag:s18] =	ssyncadd.s32 $0xFFFFFFB0  }
0x4b: {  	[tilespmem:s22], [sflag:$0x1] =	stream.indirect.gather [hbm4b:s1+s21], $0x80, s19, s21, $0xb8;
	[tilespmem:$0x1A900] =	vst v63  }
0x4c: {  	_ =	swait.ge [sflag:s23], $0x2800  }
.Ltmp1:
0x4d: {  	[sflag:s23] =	ssyncset.done $0x0;
	(pc) =	sbr.rel @p0 .LBB2_4-.Ltmp1, $4  }
0x4e: {  	[sflag:s23] =	ssyncadd.s32 $0xFFFFD800  }
0x4f: {  	[spmem:s3] =	stream.indirect.scatter.add.f32 [tilespmem:s22], [sflag:$0x2], $0x80, s20, s21, $0xb8;
	[tilespmem:$0x1A900] =	vst v63  }
0x50: {  	_ =	swait.ge [sflag:s18], $0x2800  }
0x51: {  	s26 =	smov.u32 s30;
	[sflag:s18] =	ssyncset.done $0x0  }
0x52: {  	s26 =	sadd.s32 s25, s16;
	[sflag:s18] =	ssyncadd.s32 $0xFFFFD800  }
0x53: {  	[tilespmem:s19], [sflag:$0x2] =	stream.linear.gather [hbm4b:s26+s4], $0x50, $0x38;
	[tilespmem:$0x1A900] =	vst v63  }
0x54: {  	_ =	swait.ge [sflag:s18], $0x50  }
0x55: {  	[sflag:s18] =	ssyncset.done $0x0  }
0x56: {  	s30 =	sadd.s32 s25, s15;
	[sflag:s18] =	ssyncadd.s32 $0xFFFFFFB0  }
0x57: {  	[tilespmem:s20], [sflag:$0x2] =	stream.linear.gather [hbm4b:s30+s4], $0x50, $0x38;
	[tilespmem:$0x1A900] =	vst v63  }
0x58: {  	_ =	swait.ge [sflag:s18], $0x50  }
0x59: {  	[sflag:s18] =	ssyncset.done $0x0  }
0x5a: {  	[sflag:s18] =	ssyncadd.s32 $0xFFFFFFB0  }
0x5b: {  	[tilespmem:s22], [sflag:$0x1] =	stream.indirect.gather [hbm4b:s1+s21], $0x80, s19, s21, $0xb8;
	[tilespmem:$0x1A900] =	vst v63  }
0x5c: {  	_ =	swait.ge [sflag:s23], $0x2800  }
0x5d: {  	[sflag:s23] =	ssyncset.done $0x0  }
0x5e: {  	[sflag:s23] =	ssyncadd.s32 $0xFFFFD800  }
0x5f: {  	[spmem:s3] =	stream.indirect.scatter.add.f32 [tilespmem:s22], [sflag:$0x2], $0x80, s20, s21, $0xb8;
	[tilespmem:$0x1A900] =	vst v63  }
0x60: {  	_ =	swait.ge [sflag:s18], $0x2800  }
0x61: {  	[sflag:s18] =	ssyncset.done $0x0  }
0x62: {  	s31 =	sshll.u32 s0, $0x6;
	[sflag:s18] =	ssyncadd.s32 $0xFFFFD800  }
0x63: {  	s25 =	sor.u32 $0x1C02, s31;
	s26 =	sshrl.u32 s5, $0x3;
	[bflag:$0x0] =	sbarrier.arrive $0xFFFF  }
0x64: {  	[hbm:s6], [sflag:s25] =	dma.local [spmem:s26], $0x2800  }
0x65: {  	_ =	swait.ge [sflag:s18], $0x2800  }
0x66: {  	[sflag:s18] =	ssyncset.done $0x0  }
0x67: {  	[sflag:s18] =	ssyncadd.s32 $0xFFFFD800  }
0x68: {  	[bflag:$0x0] =	sbarrier.arrive $0xFFFF  }
0x69: {  	[spmem:s5] =	stream.linear.scatter [tilespmem:s17], [sflag:$0x2], $0x4000, $0x38;
	[tilespmem:$0x1A900] =	vst v63  }
0x6a: {  	_ =	swait.ge [sflag:s18], $0x4000  }
0x6b: {  	[sflag:s18] =	ssyncset.done $0x0  }
0x6c: {  	[sflag:s18] =	ssyncadd.s32 $0xFFFFC000  }
0x6d: {  	[spmem:s11] =	stream.linear.scatter [tilespmem:s17], [sflag:$0x2], $0x4000, $0x38;
	[tilespmem:$0x1A900] =	vst v63  }
0x6e: {  	_ =	swait.ge [sflag:s18], $0x4000  }
0x6f: {  	[sflag:s18] =	ssyncset.done $0x0  }
0x70: {  	[sflag:s18] =	ssyncadd.s32 $0xFFFFC000  }
0x71: {  	[spmem:s12] =	stream.linear.scatter [tilespmem:s17], [sflag:$0x2], $0x4000, $0x38;
	[tilespmem:$0x1A900] =	vst v63  }
0x72: {  	_ =	swait.ge [sflag:s18], $0x4000  }
0x73: {  	[sflag:s18] =	ssyncset.done $0x0  }
0x74: {  	[sflag:s18] =	ssyncadd.s32 $0xFFFFC000  }
0x75: {  	[spmem:s13] =	stream.linear.scatter [tilespmem:s17], [sflag:$0x2], $0x4000, $0x38;
	[tilespmem:$0x1A900] =	vst v63  }
0x76: {  	_ =	swait.ge [sflag:s18], $0x4000  }
0x77: {  	[sflag:s18] =	ssyncset.done $0x0  }
0x78: {  	[sflag:s18] =	ssyncadd.s32 $0xFFFFC000  }
0x79: {  	[spmem:s14] =	stream.linear.scatter [tilespmem:s17], [sflag:$0x2], $0x4000, $0x38;
	[tilespmem:$0x1A900] =	vst v63  }
0x7a: {  	_ =	swait.ge [sflag:s18], $0x4000  }
0x7b: {  	[sflag:s18] =	ssyncset.done $0x0  }
0x7c: {  	[sflag:s18] =	ssyncadd.s32 $0xFFFFC000  }
0x7d: {  	s28 =	sadd.s32 $0x0, s16;
	[bflag:$0x0] =	sbarrier.arrive $0xFFFF  }
0x7e: {  	[tilespmem:s19], [sflag:$0x2] =	stream.linear.gather [hbm4b:s28+s4], $0x50, $0x38;
	[tilespmem:$0x1A900] =	vst v63  }
0x7f: {  	_ =	swait.ge [sflag:s18], $0x50  }
0x80: {  	[sflag:s18] =	ssyncset.done $0x0  }
0x81: {  	s28 =	sadd.s32 $0x0, s15;
	[sflag:s18] =	ssyncadd.s32 $0xFFFFFFB0  }
0x82: {  	[tilespmem:s20], [sflag:$0x2] =	stream.linear.gather [hbm4b:s28+s4], $0x50, $0x38;
	[tilespmem:$0x1A900] =	vst v63  }
0x83: {  	_ =	swait.ge [sflag:s18], $0x50  }
0x84: {  	[sflag:s18] =	ssyncset.done $0x0  }
0x85: {  	[sflag:s18] =	ssyncadd.s32 $0xFFFFFFB0  }
0x86: {  	v1 =	vld [tilespmem:$0x18040]  }
0x87: {  	v2 =	vld [tilespmem:$0x18020]  }
0x88: {  	v3 =	vld [tilespmem:$0x18030]  }
0x89: {  	v4 =	vld [tilespmem:$0x18010]  }
0x8a: {  	v5 =	vld [tilespmem:$0x18000]  }
0x8b: {  	v1 =	vadd.s32 $0x2710, v1  }
0x8c: {  	v2 =	vadd.s32 $0x2710, v2;
	[tilespmem:$0x18040] =	vst v1  }
0x8d: {  	[tilespmem:$0x18020] =	vst v2;
	v1 =	vadd.s32 $0x2710, v3  }
0x8e: {  	v2 =	vadd.s32 $0x2710, v4;
	[tilespmem:$0x18030] =	vst v1  }
0x8f: {  	v1 =	vadd.s32 $0x2710, v5;
	[tilespmem:$0x18010] =	vst v2  }
0x90: {  	[tilespmem:$0x18000] =	vst v1  }
0x91: {  	[tilespmem:s22], [sflag:$0x1] =	stream.indirect.gather [hbm4b:s1+s21], $0x80, s19, s21, $0xb8;
	[tilespmem:$0x1A900] =	vst v63  }
0x92: {  	_ =	swait.ge [sflag:s23], $0x2800  }
0x93: {  	s28 =	simm.s32 $0xA;
	[sflag:s23] =	ssyncset.done $0x0  }
.LBB2_6:
0x94: {  	p0 =	sne.s32 s28, $0x4D8  }
0x95: {  	[sflag:s23] =	ssyncadd.s32 $0xFFFFD800;
	s29 =	smov.u32 s28;
	s28 =	sadd.s32 $0xA, s28  }
0x96: {  	[spmem:s3] =	stream.indirect.scatter.add.f32 [tilespmem:s22], [sflag:$0x2], $0x80, s20, s21, $0xb8;
	[tilespmem:$0x1A900] =	vst v63  }
0x97: {  	_ =	swait.ge [sflag:s18], $0x2800  }
0x98: {  	[sflag:s18] =	ssyncset.done $0x0  }
0x99: {  	s30 =	sadd.s32 s29, s16;
	[sflag:s18] =	ssyncadd.s32 $0xFFFFD800  }
0x9a: {  	[tilespmem:s19], [sflag:$0x2] =	stream.linear.gather [hbm4b:s30+s4], $0x50, $0x38;
	[tilespmem:$0x1A900] =	vst v63  }
0x9b: {  	_ =	swait.ge [sflag:s18], $0x50  }
0x9c: {  	[sflag:s18] =	ssyncset.done $0x0  }
0x9d: {  	s29 =	sadd.s32 s29, s15;
	[sflag:s18] =	ssyncadd.s32 $0xFFFFFFB0  }
0x9e: {  	[tilespmem:s20], [sflag:$0x2] =	stream.linear.gather [hbm4b:s29+s4], $0x50, $0x38;
	[tilespmem:$0x1A900] =	vst v63  }
0x9f: {  	_ =	swait.ge [sflag:s18], $0x50  }
0xa0: {  	[sflag:s18] =	ssyncset.done $0x0  }
0xa1: {  	[sflag:s18] =	ssyncadd.s32 $0xFFFFFFB0  }
0xa2: {  	v1 =	vld [tilespmem:$0x18040]  }
0xa3: {  	v2 =	vld [tilespmem:$0x18020]  }
0xa4: {  	v3 =	vld [tilespmem:$0x18030]  }
0xa5: {  	v4 =	vld [tilespmem:$0x18010]  }
0xa6: {  	v5 =	vld [tilespmem:$0x18000]  }
0xa7: {  	v1 =	vadd.s32 $0x2710, v1  }
0xa8: {  	v2 =	vadd.s32 $0x2710, v2;
	[tilespmem:$0x18040] =	vst v1  }
0xa9: {  	[tilespmem:$0x18020] =	vst v2;
	v1 =	vadd.s32 $0x2710, v3  }
0xaa: {  	v2 =	vadd.s32 $0x2710, v4;
	[tilespmem:$0x18030] =	vst v1  }
.Ltmp2:
0xab: {  	v1 =	vadd.s32 $0x2710, v5;
	[tilespmem:$0x18010] =	vst v2;
	(pc) =	sbr.rel @p0 .LBB2_6-.Ltmp2, $4  }
0xac: {  	[tilespmem:$0x18000] =	vst v1  }
0xad: {  	[tilespmem:s22], [sflag:$0x1] =	stream.indirect.gather [hbm4b:s1+s21], $0x80, s19, s21, $0xb8;
	[tilespmem:$0x1A900] =	vst v63  }
0xae: {  	_ =	swait.ge [sflag:s23], $0x2800  }
0xaf: {  	[sflag:s23] =	ssyncset.done $0x0  }
0xb0: {  	[sflag:s23] =	ssyncadd.s32 $0xFFFFD800  }
0xb1: {  	[spmem:s3] =	stream.indirect.scatter.add.f32 [tilespmem:s22], [sflag:$0x2], $0x80, s20, s21, $0xb8;
	[tilespmem:$0x1A900] =	vst v63  }
0xb2: {  	_ =	swait.ge [sflag:s18], $0x2800  }
0xb3: {  	[sflag:s18] =	ssyncset.done $0x0  }
0xb4: {  	[sflag:s18] =	ssyncadd.s32 $0xFFFFD800  }
0xb5: {  	[bflag:$0x0] =	sbarrier.arrive $0xFFFF  }
0xb6: {  	[hbm:s7], [sflag:s25] =	dma.local [spmem:s26], $0x2800  }
0xb7: {  	_ =	swait.ge [sflag:s18], $0x2800  }
0xb8: {  	[sflag:s18] =	ssyncset.done $0x0  }
0xb9: {  	[sflag:s18] =	ssyncadd.s32 $0xFFFFD800  }
0xba: {  	[bflag:$0x0] =	sbarrier.arrive $0xFFFF  }
0xbb: {  	[spmem:s5] =	stream.linear.scatter [tilespmem:s17], [sflag:$0x2], $0x4000, $0x38;
	[tilespmem:$0x1A900] =	vst v63  }
0xbc: {  	_ =	swait.ge [sflag:s18], $0x4000  }
0xbd: {  	[sflag:s18] =	ssyncset.done $0x0  }
0xbe: {  	[sflag:s18] =	ssyncadd.s32 $0xFFFFC000  }
0xbf: {  	[spmem:s11] =	stream.linear.scatter [tilespmem:s17], [sflag:$0x2], $0x4000, $0x38;
	[tilespmem:$0x1A900] =	vst v63  }
0xc0: {  	_ =	swait.ge [sflag:s18], $0x4000  }
0xc1: {  	[sflag:s18] =	ssyncset.done $0x0  }
0xc2: {  	[sflag:s18] =	ssyncadd.s32 $0xFFFFC000  }
0xc3: {  	[spmem:s12] =	stream.linear.scatter [tilespmem:s17], [sflag:$0x2], $0x4000, $0x38;
	[tilespmem:$0x1A900] =	vst v63  }
0xc4: {  	_ =	swait.ge [sflag:s18], $0x4000  }
0xc5: {  	[sflag:s18] =	ssyncset.done $0x0  }
0xc6: {  	[sflag:s18] =	ssyncadd.s32 $0xFFFFC000  }
0xc7: {  	[spmem:s13] =	stream.linear.scatter [tilespmem:s17], [sflag:$0x2], $0x4000, $0x38;
	[tilespmem:$0x1A900] =	vst v63  }
0xc8: {  	_ =	swait.ge [sflag:s18], $0x4000  }
0xc9: {  	[sflag:s18] =	ssyncset.done $0x0  }
0xca: {  	[sflag:s18] =	ssyncadd.s32 $0xFFFFC000  }
0xcb: {  	[spmem:s14] =	stream.linear.scatter [tilespmem:s17], [sflag:$0x2], $0x4000, $0x38;
	[tilespmem:$0x1A900] =	vst v63  }
0xcc: {  	_ =	swait.ge [sflag:s18], $0x4000  }
0xcd: {  	[sflag:s18] =	ssyncset.done $0x0  }
0xce: {  	[sflag:s18] =	ssyncadd.s32 $0xFFFFC000  }
0xcf: {  	s28 =	sadd.s32 $0x0, s16;
	[bflag:$0x0] =	sbarrier.arrive $0xFFFF  }
0xd0: {  	[tilespmem:s19], [sflag:$0x2] =	stream.linear.gather [hbm4b:s28+s4], $0x50, $0x38;
	[tilespmem:$0x1A900] =	vst v63  }
0xd1: {  	_ =	swait.ge [sflag:s18], $0x50  }
0xd2: {  	[sflag:s18] =	ssyncset.done $0x0  }
0xd3: {  	s28 =	sadd.s32 $0x0, s15;
	[sflag:s18] =	ssyncadd.s32 $0xFFFFFFB0  }
0xd4: {  	[tilespmem:s20], [sflag:$0x2] =	stream.linear.gather [hbm4b:s28+s4], $0x50, $0x38;
	[tilespmem:$0x1A900] =	vst v63  }
0xd5: {  	_ =	swait.ge [sflag:s18], $0x50  }
0xd6: {  	[sflag:s18] =	ssyncset.done $0x0  }
0xd7: {  	[sflag:s18] =	ssyncadd.s32 $0xFFFFFFB0  }
0xd8: {  	v1 =	vld [tilespmem:$0x18040]  }
0xd9: {  	v2 =	vld [tilespmem:$0x18020]  }
0xda: {  	v3 =	vld [tilespmem:$0x18030]  }
0xdb: {  	v4 =	vld [tilespmem:$0x18010]  }
0xdc: {  	v5 =	vld [tilespmem:$0x18000]  }
0xdd: {  	v1 =	vadd.s32 $0x4E20, v1  }
0xde: {  	v2 =	vadd.s32 $0x4E20, v2;
	[tilespmem:$0x18040] =	vst v1  }
0xdf: {  	[tilespmem:$0x18020] =	vst v2;
	v1 =	vadd.s32 $0x4E20, v3  }
0xe0: {  	v2 =	vadd.s32 $0x4E20, v4;
	[tilespmem:$0x18030] =	vst v1  }
0xe1: {  	v1 =	vadd.s32 $0x4E20, v5;
	[tilespmem:$0x18010] =	vst v2  }
0xe2: {  	[tilespmem:$0x18000] =	vst v1  }
0xe3: {  	[tilespmem:s22], [sflag:$0x1] =	stream.indirect.gather [hbm4b:s1+s21], $0x80, s19, s21, $0xb8;
	[tilespmem:$0x1A900] =	vst v63  }
0xe4: {  	_ =	swait.ge [sflag:s23], $0x2800  }
0xe5: {  	s28 =	simm.s32 $0xA;
	[sflag:s23] =	ssyncset.done $0x0  }
.LBB2_8:
0xe6: {  	p0 =	sne.s32 s28, $0x4D8  }
0xe7: {  	[sflag:s23] =	ssyncadd.s32 $0xFFFFD800;
	s29 =	smov.u32 s28;
	s28 =	sadd.s32 $0xA, s28  }
0xe8: {  	[spmem:s3] =	stream.indirect.scatter.add.f32 [tilespmem:s22], [sflag:$0x2], $0x80, s20, s21, $0xb8;
	[tilespmem:$0x1A900] =	vst v63  }
0xe9: {  	_ =	swait.ge [sflag:s18], $0x2800  }
0xea: {  	[sflag:s18] =	ssyncset.done $0x0  }
0xeb: {  	s30 =	sadd.s32 s29, s16;
	[sflag:s18] =	ssyncadd.s32 $0xFFFFD800  }
0xec: {  	[tilespmem:s19], [sflag:$0x2] =	stream.linear.gather [hbm4b:s30+s4], $0x50, $0x38;
	[tilespmem:$0x1A900] =	vst v63  }
0xed: {  	_ =	swait.ge [sflag:s18], $0x50  }
0xee: {  	[sflag:s18] =	ssyncset.done $0x0  }
0xef: {  	s29 =	sadd.s32 s29, s15;
	[sflag:s18] =	ssyncadd.s32 $0xFFFFFFB0  }
0xf0: {  	[tilespmem:s20], [sflag:$0x2] =	stream.linear.gather [hbm4b:s29+s4], $0x50, $0x38;
	[tilespmem:$0x1A900] =	vst v63  }
0xf1: {  	_ =	swait.ge [sflag:s18], $0x50  }
0xf2: {  	[sflag:s18] =	ssyncset.done $0x0  }
0xf3: {  	[sflag:s18] =	ssyncadd.s32 $0xFFFFFFB0  }
0xf4: {  	v1 =	vld [tilespmem:$0x18040]  }
0xf5: {  	v2 =	vld [tilespmem:$0x18020]  }
0xf6: {  	v3 =	vld [tilespmem:$0x18030]  }
0xf7: {  	v4 =	vld [tilespmem:$0x18010]  }
0xf8: {  	v5 =	vld [tilespmem:$0x18000]  }
0xf9: {  	v1 =	vadd.s32 $0x4E20, v1  }
0xfa: {  	v2 =	vadd.s32 $0x4E20, v2;
	[tilespmem:$0x18040] =	vst v1  }
0xfb: {  	[tilespmem:$0x18020] =	vst v2;
	v1 =	vadd.s32 $0x4E20, v3  }
0xfc: {  	v2 =	vadd.s32 $0x4E20, v4;
	[tilespmem:$0x18030] =	vst v1  }
.Ltmp3:
0xfd: {  	v1 =	vadd.s32 $0x4E20, v5;
	[tilespmem:$0x18010] =	vst v2;
	(pc) =	sbr.rel @p0 .LBB2_8-.Ltmp3, $4  }
0xfe: {  	[tilespmem:$0x18000] =	vst v1  }
0xff: {  	[tilespmem:s22], [sflag:$0x1] =	stream.indirect.gather [hbm4b:s1+s21], $0x80, s19, s21, $0xb8;
	[tilespmem:$0x1A900] =	vst v63  }
0x100: {  	_ =	swait.ge [sflag:s23], $0x2800  }
0x101: {  	[sflag:s23] =	ssyncset.done $0x0  }
0x102: {  	[sflag:s23] =	ssyncadd.s32 $0xFFFFD800  }
0x103: {  	[spmem:s3] =	stream.indirect.scatter.add.f32 [tilespmem:s22], [sflag:$0x2], $0x80, s20, s21, $0xb8;
	[tilespmem:$0x1A900] =	vst v63  }
0x104: {  	_ =	swait.ge [sflag:s18], $0x2800  }
0x105: {  	[sflag:s18] =	ssyncset.done $0x0  }
0x106: {  	[sflag:s18] =	ssyncadd.s32 $0xFFFFD800  }
0x107: {  	[bflag:$0x0] =	sbarrier.arrive $0xFFFF  }
0x108: {  	[hbm:s8], [sflag:s25] =	dma.local [spmem:s26], $0x2800  }
0x109: {  	_ =	swait.ge [sflag:s18], $0x2800  }
0x10a: {  	[sflag:s18] =	ssyncset.done $0x0  }
0x10b: {  	[sflag:s18] =	ssyncadd.s32 $0xFFFFD800  }
0x10c: {  	[bflag:$0x0] =	sbarrier.arrive $0xFFFF  }
0x10d: {  	[spmem:s5] =	stream.linear.scatter [tilespmem:s17], [sflag:$0x2], $0x4000, $0x38;
	[tilespmem:$0x1A900] =	vst v63  }
0x10e: {  	_ =	swait.ge [sflag:s18], $0x4000  }
0x10f: {  	[sflag:s18] =	ssyncset.done $0x0  }
0x110: {  	[sflag:s18] =	ssyncadd.s32 $0xFFFFC000  }
0x111: {  	[spmem:s11] =	stream.linear.scatter [tilespmem:s17], [sflag:$0x2], $0x4000, $0x38;
	[tilespmem:$0x1A900] =	vst v63  }
0x112: {  	_ =	swait.ge [sflag:s18], $0x4000  }
0x113: {  	[sflag:s18] =	ssyncset.done $0x0  }
0x114: {  	[sflag:s18] =	ssyncadd.s32 $0xFFFFC000  }
0x115: {  	[spmem:s12] =	stream.linear.scatter [tilespmem:s17], [sflag:$0x2], $0x4000, $0x38;
	[tilespmem:$0x1A900] =	vst v63  }
0x116: {  	_ =	swait.ge [sflag:s18], $0x4000  }
0x117: {  	[sflag:s18] =	ssyncset.done $0x0  }
0x118: {  	[sflag:s18] =	ssyncadd.s32 $0xFFFFC000  }
0x119: {  	[spmem:s13] =	stream.linear.scatter [tilespmem:s17], [sflag:$0x2], $0x4000, $0x38;
	[tilespmem:$0x1A900] =	vst v63  }
0x11a: {  	_ =	swait.ge [sflag:s18], $0x4000  }
0x11b: {  	[sflag:s18] =	ssyncset.done $0x0  }
0x11c: {  	[sflag:s18] =	ssyncadd.s32 $0xFFFFC000  }
0x11d: {  	[spmem:s14] =	stream.linear.scatter [tilespmem:s17], [sflag:$0x2], $0x4000, $0x38;
	[tilespmem:$0x1A900] =	vst v63  }
0x11e: {  	_ =	swait.ge [sflag:s18], $0x4000  }
0x11f: {  	[sflag:s18] =	ssyncset.done $0x0  }
0x120: {  	[sflag:s18] =	ssyncadd.s32 $0xFFFFC000  }
0x121: {  	s28 =	sadd.s32 $0x0, s16;
	[bflag:$0x0] =	sbarrier.arrive $0xFFFF  }
0x122: {  	[tilespmem:s19], [sflag:$0x2] =	stream.linear.gather [hbm4b:s28+s4], $0x50, $0x38;
	[tilespmem:$0x1A900] =	vst v63  }
0x123: {  	_ =	swait.ge [sflag:s18], $0x50  }
0x124: {  	[sflag:s18] =	ssyncset.done $0x0  }
0x125: {  	s28 =	sadd.s32 $0x0, s15;
	[sflag:s18] =	ssyncadd.s32 $0xFFFFFFB0  }
0x126: {  	[tilespmem:s20], [sflag:$0x2] =	stream.linear.gather [hbm4b:s28+s4], $0x50, $0x38;
	[tilespmem:$0x1A900] =	vst v63  }
0x127: {  	_ =	swait.ge [sflag:s18], $0x50  }
0x128: {  	[sflag:s18] =	ssyncset.done $0x0  }
0x129: {  	[sflag:s18] =	ssyncadd.s32 $0xFFFFFFB0  }
0x12a: {  	v1 =	vld [tilespmem:$0x18040]  }
0x12b: {  	v2 =	vld [tilespmem:$0x18020]  }
0x12c: {  	v3 =	vld [tilespmem:$0x18030]  }
0x12d: {  	v4 =	vld [tilespmem:$0x18010]  }
0x12e: {  	v5 =	vld [tilespmem:$0x18000]  }
0x12f: {  	v1 =	vadd.s32 $0x7530, v1  }
0x130: {  	v2 =	vadd.s32 $0x7530, v2;
	[tilespmem:$0x18040] =	vst v1  }
0x131: {  	[tilespmem:$0x18020] =	vst v2;
	v1 =	vadd.s32 $0x7530, v3  }
0x132: {  	v2 =	vadd.s32 $0x7530, v4;
	[tilespmem:$0x18030] =	vst v1  }
0x133: {  	v1 =	vadd.s32 $0x7530, v5;
	[tilespmem:$0x18010] =	vst v2  }
0x134: {  	[tilespmem:$0x18000] =	vst v1  }
0x135: {  	[tilespmem:s22], [sflag:$0x1] =	stream.indirect.gather [hbm4b:s1+s21], $0x80, s19, s21, $0xb8;
	[tilespmem:$0x1A900] =	vst v63  }
0x136: {  	_ =	swait.ge [sflag:s23], $0x2800  }
0x137: {  	s28 =	simm.s32 $0xA;
	[sflag:s23] =	ssyncset.done $0x0  }
.LBB2_10:
0x138: {  	p0 =	sne.s32 s28, $0x4D8  }
0x139: {  	[sflag:s23] =	ssyncadd.s32 $0xFFFFD800;
	s29 =	smov.u32 s28;
	s28 =	sadd.s32 $0xA, s28  }
0x13a: {  	[spmem:s3] =	stream.indirect.scatter.add.f32 [tilespmem:s22], [sflag:$0x2], $0x80, s20, s21, $0xb8;
	[tilespmem:$0x1A900] =	vst v63  }
0x13b: {  	_ =	swait.ge [sflag:s18], $0x2800  }
0x13c: {  	[sflag:s18] =	ssyncset.done $0x0  }
0x13d: {  	s30 =	sadd.s32 s29, s16;
	[sflag:s18] =	ssyncadd.s32 $0xFFFFD800  }
0x13e: {  	[tilespmem:s19], [sflag:$0x2] =	stream.linear.gather [hbm4b:s30+s4], $0x50, $0x38;
	[tilespmem:$0x1A900] =	vst v63  }
0x13f: {  	_ =	swait.ge [sflag:s18], $0x50  }
0x140: {  	[sflag:s18] =	ssyncset.done $0x0  }
0x141: {  	s29 =	sadd.s32 s29, s15;
	[sflag:s18] =	ssyncadd.s32 $0xFFFFFFB0  }
0x142: {  	[tilespmem:s20], [sflag:$0x2] =	stream.linear.gather [hbm4b:s29+s4], $0x50, $0x38;
	[tilespmem:$0x1A900] =	vst v63  }
0x143: {  	_ =	swait.ge [sflag:s18], $0x50  }
0x144: {  	[sflag:s18] =	ssyncset.done $0x0  }
0x145: {  	[sflag:s18] =	ssyncadd.s32 $0xFFFFFFB0  }
0x146: {  	v1 =	vld [tilespmem:$0x18040]  }
0x147: {  	v2 =	vld [tilespmem:$0x18020]  }
0x148: {  	v3 =	vld [tilespmem:$0x18030]  }
0x149: {  	v4 =	vld [tilespmem:$0x18010]  }
0x14a: {  	v5 =	vld [tilespmem:$0x18000]  }
0x14b: {  	v1 =	vadd.s32 $0x7530, v1  }
0x14c: {  	v2 =	vadd.s32 $0x7530, v2;
	[tilespmem:$0x18040] =	vst v1  }
0x14d: {  	[tilespmem:$0x18020] =	vst v2;
	v1 =	vadd.s32 $0x7530, v3  }
0x14e: {  	v2 =	vadd.s32 $0x7530, v4;
	[tilespmem:$0x18030] =	vst v1  }
.Ltmp4:
0x14f: {  	v1 =	vadd.s32 $0x7530, v5;
	[tilespmem:$0x18010] =	vst v2;
	(pc) =	sbr.rel @p0 .LBB2_10-.Ltmp4, $4  }
0x150: {  	[tilespmem:$0x18000] =	vst v1  }
0x151: {  	[tilespmem:s22], [sflag:$0x1] =	stream.indirect.gather [hbm4b:s1+s21], $0x80, s19, s21, $0xb8;
	[tilespmem:$0x1A900] =	vst v63  }
0x152: {  	_ =	swait.ge [sflag:s23], $0x2800  }
0x153: {  	[sflag:s23] =	ssyncset.done $0x0  }
0x154: {  	[sflag:s23] =	ssyncadd.s32 $0xFFFFD800  }
0x155: {  	[spmem:s3] =	stream.indirect.scatter.add.f32 [tilespmem:s22], [sflag:$0x2], $0x80, s20, s21, $0xb8;
	[tilespmem:$0x1A900] =	vst v63  }
0x156: {  	_ =	swait.ge [sflag:s18], $0x2800  }
0x157: {  	[sflag:s18] =	ssyncset.done $0x0  }
0x158: {  	s24 =	sadd.s32 $0x1, s24;
	[sflag:s18] =	ssyncadd.s32 $0xFFFFD800  }
0x159: {  	p0 =	sne.s32 s24, s10;
	[bflag:$0x0] =	sbarrier.arrive $0xFFFF  }
0x15a: {  	[hbm:s9], [sflag:s25] =	dma.local [spmem:s26], $0x2800  }
.Ltmp5:
0x15b: {  	_ =	swait.ge [sflag:s18], $0x2800;
	(pc) =	sbr.rel @p0 .LBB2_1-.Ltmp5, $3  }
0x15c: {  	[sflag:s18] =	ssyncset.done $0x0  }
0x15d: {  	[sflag:s18] =	ssyncadd.s32 $0xFFFFD800  }
0x15e: {  	[bflag:$0x0] =	sbarrier.arrive $0xFFFF;
	_ =	sdelay $0x1  }
0x15f: {  	_ =	sfence.sel $0x180000  }
0x160: {  	[bflag:$0x0] =	sbarrier.arrive $0xFFFF  }
0x161: {  	p0 =	sne.s32 s0, $0x0;
	_ =	strace $0x9000004A  }
0x162: {  	s0 =	sadd.s32 @!p0 $0x100000, s2;
	[bflag:$0x2] =	sbarrier.arrive $0xFFFF  }
0x163: {  	[sflag:s0] =	ssyncadd.tile.s32 @!p0 $0x1;
	_ =	shalt  }
.Lfunc_end2:
_tile_overlayer_lowered:
.L_overlay_start_2:
0x164: {  	(tag) =	ssettag $0x2  }
0x165: {  	s0 =	rddreg [dreg:$0x0];
	s2 =	stileid.u32  }
0x166: {  	s1 =	rddreg [dreg:$0x1];
	p0 =	sne.s32 s2, $0x0  }
0x167: {  	s3 =	rddreg [dreg:$0x2];
	[bflag:$0x3] =	sbarrier.arrive $0xFFFF;
	s2 =	simm.s32 @!p0 $0x1C02  }
0x168: {  	[timem:s3], [sflag:s2] =	dma.local @!p0 [hbm:s0], s1  }
0x169: {  	s0 =	simm.s32 @!p0 $0x2  }
0x16a: {  	_ =	swait.ge @!p0 [sflag:s0], s1  }
0x16b: {  	s1 =	ssub.s32 @!p0 $0x0, s1;
	[sflag:s0] =	ssyncset.done @!p0 $0x0  }
0x16c: {  	[sflag:s0] =	ssyncadd.s32 @!p0 s1  }
0x16d: {  	[bflag:$0x3] =	sbarrier.arrive $0xFFFF  }
0x16e: {  	_ =	shalt  }

</sc_bundles>
